<compile_context>
chip_gen: v7x
topology: tpu7x:2x2x1
jax: 0.10.2.dev20260603
libtpu: 0.0.44.dev20260713+nightly
codegen_flags: <defaults>
</compile_context>

<pallas_src>
import functools

import jax
import jax.numpy as jnp
from jax import lax
from jax.experimental import pallas as pl
from jax.experimental.pallas import tpu as pltpu
from jax.experimental.pallas import tpu_sc as plsc

_NC = 2
_NS = 16
_NW = _NC * _NS
_CHUNK = 128


def _round_up(v, m):
  return (v + m - 1) // m * m


def _make_sc_segment_sum(npad, dh, cpt, with_counts):
  rows_per_sub = npad // _NS
  zero_chunks = rows_per_sub // _CHUNK
  nbuf = 2
  mesh = plsc.VectorSubcoreMesh(core_axis_name="c", subcore_axis_name="s")
  out_type = [jax.ShapeDtypeStruct((_NC, npad, dh), jnp.float32)]
  if with_counts:
    out_type.append(jax.ShapeDtypeStruct((_NC, npad, 8), jnp.float32))
  scratch = (
      [pltpu.VMEM((cpt, _CHUNK), jnp.int32),
       pltpu.VMEM((cpt, _CHUNK), jnp.int32)]
      + [pltpu.VMEM((_CHUNK, dh), jnp.float32) for _ in range(nbuf)]
      + [pltpu.VMEM((_CHUNK, dh), jnp.float32),
         pltpu.VMEM((2 * _CHUNK, 8), jnp.float32),
         pltpu.VMEM_SHARED((npad, dh), jnp.float32),
         pltpu.VMEM_SHARED((npad, 8), jnp.float32)]
      + [pltpu.SemaphoreType.DMA for _ in range(nbuf)]
  )

  def body(*refs):
    x_h, src_h, dst_h, zrow_h, w8_h = refs[:5]
    sums_o = refs[5]
    cnt_o = refs[6] if with_counts else None
    sref = refs[6 + (1 if with_counts else 0):]
    srcv, dstv = sref[0], sref[1]
    rbufs = sref[2:2 + nbuf]
    zbuf, w8v, sums_sh, cnt_sh = sref[2 + nbuf:6 + nbuf]
    sems = sref[6 + nbuf:6 + 2 * nbuf]
    c = lax.axis_index("c")
    s = lax.axis_index("s")
    w = c * _NS + s

    pltpu.sync_copy(src_h.at[w], srcv)
    pltpu.sync_copy(dst_h.at[w], dstv)
    pltpu.sync_copy(zrow_h, zbuf)
    pltpu.sync_copy(w8_h, w8v)

    base = s * rows_per_sub
    for k in range(zero_chunks):
      off = base + k * _CHUNK
      pltpu.sync_copy(zbuf, sums_sh.at[pl.ds(off, _CHUNK)])
      if with_counts:
        pltpu.sync_copy(w8v.at[pl.ds(_CHUNK, _CHUNK)],
                        cnt_sh.at[pl.ds(off, _CHUNK)])
    plsc.subcore_barrier()

    for b in range(nbuf):
      pltpu.async_copy(x_h.at[srcv.at[b]], rbufs[b], sems[b])

    def step(j, rows, sem, issue_next):
      pltpu.make_async_copy(x_h.at[srcv.at[j]], rows, sem).wait()
      pltpu.sync_copy(rows, sums_sh.at[dstv.at[j]], add=True)
      if issue_next:
        pltpu.async_copy(x_h.at[srcv.at[j + nbuf]], rows, sem)
      if with_counts:
        pltpu.sync_copy(w8v.at[pl.ds(0, _CHUNK)],
                        cnt_sh.at[dstv.at[j]], add=True)

    def group(i, carry):
      for b in range(nbuf):
        step(nbuf * i + b, rbufs[b], sems[b], True)
      return carry

    lax.fori_loop(0, cpt // nbuf - 1, group, 0)
    for b in range(nbuf):
      step(cpt - nbuf + b, rbufs[b], sems[b], False)

    plsc.subcore_barrier()
    for k in range(zero_chunks):
      off = base + k * _CHUNK
      pltpu.sync_copy(sums_sh.at[pl.ds(off, _CHUNK)],
                      sums_o.at[c, pl.ds(off, _CHUNK)])
      if with_counts:
        pltpu.sync_copy(cnt_sh.at[pl.ds(off, _CHUNK)],
                        cnt_o.at[c, pl.ds(off, _CHUNK)])

  return pl.kernel(body, out_type=tuple(out_type), mesh=mesh,
                   scratch_types=scratch,
                   compiler_params=pltpu.CompilerParams(
                       use_tc_tiling_on_sc=False))


def _combine_body(s_ref, c8_ref, x_ref, wl_ref, bl_ref, wr_ref, o_ref, *,
                  dh, relu, split_out):
  cnt = jnp.maximum(c8_ref[0, :, 0:1], 1.0)
  dn = (((1,), (0,)), ((), ()))
  mm = functools.partial(lax.dot_general, dimension_numbers=dn,
                         precision=lax.Precision.HIGHEST,
                         preferred_element_type=jnp.float32)
  r = bl_ref[0:1, :]
  for c in range(_NC):
    agg = s_ref[c] / cnt
    r = r + mm(agg, wl_ref[c * dh:(c + 1) * dh, :])
    r = r + mm(x_ref[c], wr_ref[c * dh:(c + 1) * dh, :])
  if relu:
    r = jnp.maximum(r, 0.0)
  if split_out:
    for c in range(_NC):
      o_ref[c] = r[:, c * dh:(c + 1) * dh]
  else:
    o_ref[...] = r


def _make_combine(npad, d, dh, bn, relu, split_out):
  if split_out:
    out_shape = jax.ShapeDtypeStruct((_NC, npad, dh), jnp.float32)
    out_spec = pl.BlockSpec((_NC, bn, dh), lambda i: (0, i, 0))
  else:
    out_shape = jax.ShapeDtypeStruct((npad, d), jnp.float32)
    out_spec = pl.BlockSpec((bn, d), lambda i: (i, 0))
  return pl.pallas_call(
      functools.partial(_combine_body, dh=dh, relu=relu, split_out=split_out),
      grid=(npad // bn,),
      in_specs=[
          pl.BlockSpec((_NC, bn, dh), lambda i: (0, i, 0)),
          pl.BlockSpec((1, bn, 8), lambda i: (0, i, 0)),
          pl.BlockSpec((_NC, bn, dh), lambda i: (0, i, 0)),
          pl.BlockSpec((d, d), lambda i: (0, 0)),
          pl.BlockSpec((8, d), lambda i: (0, 0)),
          pl.BlockSpec((d, d), lambda i: (0, 0)),
      ],
      out_specs=out_spec,
      out_shape=out_shape,
  )


def kernel(x, edge_index, Wl1, bl1, Wr1, Wl2, bl2, Wr2):
  n, d = x.shape
  dh = d // _NC
  e = edge_index.shape[1]

  cpt = _round_up(-(-e // (_NS * _CHUNK)), 2)
  ep = _NS * cpt * _CHUNK
  npad = _round_up(n + 1, _NS * _CHUNK)
  bn = 1024

  src = edge_index[0].astype(jnp.int32)
  dst = edge_index[1].astype(jnp.int32)
  pad = ep - e
  src_s = jnp.concatenate(
      [src, jnp.zeros((pad,), jnp.int32)]).reshape(_NS, cpt, _CHUNK)
  src3 = jnp.concatenate([src_s, src_s + npad], axis=0)
  dst_s = jnp.concatenate(
      [dst, jnp.full((pad,), n, jnp.int32)]).reshape(_NS, cpt, _CHUNK)
  dst3 = jnp.concatenate([dst_s, dst_s], axis=0)

  xp = jnp.pad(x, ((0, npad - n), (0, 0)))
  x2 = jnp.stack([xp[:, :dh], xp[:, dh:]])

  zrow = jnp.zeros((_CHUNK, dh), jnp.float32)
  w8 = jnp.concatenate([jnp.ones((_CHUNK, 8), jnp.float32),
                        jnp.zeros((_CHUNK, 8), jnp.float32)], axis=0)
  bl1t = jnp.tile(bl1[None, :], (8, 1))
  bl2t = jnp.tile(bl2[None, :], (8, 1))

  sc1 = _make_sc_segment_sum(npad, dh, cpt, True)
  sums1, cnt8 = sc1(x2.reshape(_NC * npad, dh), src3, dst3, zrow, w8)
  h2 = _make_combine(npad, d, dh, bn, True, True)(
      sums1, cnt8, x2, Wl1, bl1t, Wr1)
  sc2 = _make_sc_segment_sum(npad, dh, cpt, False)
  sums2 = sc2(h2.reshape(_NC * npad, dh), src3, dst3, zrow, w8)
  if isinstance(sums2, (tuple, list)):
    sums2 = sums2[0]
  out_p = _make_combine(npad, d, dh, bn, False, False)(
      sums2, cnt8, h2, Wl2, bl2t, Wr2)
  return out_p[:n]

# --- scband reference (transcript-rebuilt; emitter-appended) ---
"""Pipeline reference for scband-graph-sage-26474178413285 (READ-ONLY COPY).

The authoritative reference and input builder live on the scoring server;
editing this copy changes nothing except your own understanding.
"""

import jax, jax.numpy as jnp
import numpy as np

N = 10000
E = 320000
D = 128


def setup_inputs(seed: int = 0) -> dict:
    key = jax.random.key(seed)
    ks = jax.random.split(key, 10)
    x = jax.random.normal(ks[0], (N, D), dtype=jnp.float32)
    edge_index = jax.random.randint(ks[1], (2, E), 0, N)
    s = 0.05
    # Layer 1 (SAGEConv): lin_l (neighbor agg, with bias), lin_r (root, no bias)
    Wl1 = jax.random.normal(ks[2], (D, D), dtype=jnp.float32) * s
    bl1 = jnp.zeros((D,), dtype=jnp.float32)
    Wr1 = jax.random.normal(ks[3], (D, D), dtype=jnp.float32) * s
    # Layer 2
    Wl2 = jax.random.normal(ks[4], (D, D), dtype=jnp.float32) * s
    bl2 = jnp.zeros((D,), dtype=jnp.float32)
    Wr2 = jax.random.normal(ks[5], (D, D), dtype=jnp.float32) * s
    return {"x": x, "edge_index": edge_index, "Wl1": Wl1, "bl1": bl1, "Wr1": Wr1, "Wl2": Wl2, "bl2": bl2, "Wr2": Wr2}


def sage_conv(x, edge_index, Wl, bl, Wr):
    # PyG SAGEConv with mean aggregation:
    # out = lin_l(mean_{j in N(i)} x_j) + lin_r(x_i)
    src = edge_index[0]
    dst = edge_index[1]
    n = x.shape[0]
    msgs = jnp.take(x, src, axis=0)                      # gather (SparseCore)
    summed = jax.ops.segment_sum(msgs, dst, num_segments=n)  # scatter-add
    ones = jnp.ones((src.shape[0], 1), dtype=x.dtype)
    cnt = jax.ops.segment_sum(ones, dst, num_segments=n)
    agg = summed / jnp.maximum(cnt, 1.0)
    return agg @ Wl + bl + x @ Wr


def reference(x, edge_index, Wl1, bl1, Wr1, Wl2, bl2, Wr2):
    h = sage_conv(x, edge_index, Wl1, bl1, Wr1)
    h = jax.nn.relu(h)
    # dropout p=0.0 -> identity
    out = sage_conv(h, edge_index, Wl2, bl2, Wr2)
    return out

if __name__ == "__main__":
    import jax
    _d = setup_inputs()
    print(jax.jit(kernel)(*tuple(_d.values())))

</pallas_src>

<mosaic_0001>
#map = affine_map<(d0, d1) -> (0, 0)>
#map1 = affine_map<(d0, d1) -> (0, 0, 0)>
module attributes {stable_mosaic.version = 14 : i64} {
  func.func @body(%arg0: i32, %arg1: i32, %arg2: memref<20480x64xf32, #tpu.memory_space<hbm>>, %arg3: memref<32x158x128xi32, #tpu.memory_space<hbm>>, %arg4: memref<32x158x128xi32, #tpu.memory_space<hbm>>, %arg5: memref<128x64xf32, #tpu.memory_space<hbm>>, %arg6: memref<256x8xf32, #tpu.memory_space<hbm>>, %arg7: memref<2x10240x64xf32, #tpu.memory_space<hbm>>, %arg8: memref<2x10240x8xf32, #tpu.memory_space<hbm>>, %arg9: memref<158x128xi32, #tpu.memory_space<vmem>>, %arg10: memref<158x128xi32, #tpu.memory_space<vmem>>, %arg11: memref<128x64xf32, #tpu.memory_space<vmem>>, %arg12: memref<128x64xf32, #tpu.memory_space<vmem>>, %arg13: memref<128x64xf32, #tpu.memory_space<vmem>>, %arg14: memref<256x8xf32, #tpu.memory_space<vmem>>, %arg15: memref<10240x64xf32, #tpu.memory_space<vmem_shared>>, %arg16: memref<10240x8xf32, #tpu.memory_space<vmem_shared>>, %arg17: memref<!tpu.dma_semaphore, #tpu.memory_space<semaphore_mem>>, %arg18: memref<!tpu.dma_semaphore, #tpu.memory_space<semaphore_mem>>) attributes {dimension_semantics = [#tpu.dimension_semantics<core_parallel>, #tpu.dimension_semantics<subcore_parallel>], iteration_bounds = array<i64: 2, 16>, scalar_prefetch = 0 : i64, scratch_operands = 10 : i64, tpu.core_type = #tpu.core_type<sc_vector_subcore>, window_params = [{transform_indices = #map}, {transform_indices = #map1}, {transform_indices = #map1}, {transform_indices = #map}, {transform_indices = #map}, {transform_indices = #map1}, {transform_indices = #map1}]} {
    %mul3A = arith.constant 16 : i32
    %mul3A_0 = arith.muli %arg0, %mul3A : i32
    %add3A = arith.addi %mul3A_0, %arg1 : i32
    "tpu.region"() ({
      %run_scoped3A_58 = tpu.sem_alloc : memref<!tpu.dma_semaphore, #tpu.memory_space<semaphore_mem>>
      %dma_start3A_59 = arith.constant 0 : i32
      %dma_start3A_60 = arith.constant 0 : i32
      %dma_start3A_61 = tpu.memref_slice %arg3[%add3A, %dma_start3A_59, %dma_start3A_60] : memref<32x158x128xi32, #tpu.memory_space<hbm>> -> memref<1x158x128xi32, #tpu.memory_space<hbm>>
      %dma_start3A_62 = tpu.memref_squeeze %dma_start3A_61 : memref<1x158x128xi32, #tpu.memory_space<hbm>> -> memref<158x128xi32, #tpu.memory_space<hbm>>
      %dma_start3A_63 = arith.constant 0 : i32
      %dma_start3A_64 = arith.constant 0 : i32
      %dma_start3A_65 = tpu.memref_slice %arg3[%add3A, %dma_start3A_63, %dma_start3A_64] : memref<32x158x128xi32, #tpu.memory_space<hbm>> -> memref<1x158x128xi32, #tpu.memory_space<hbm>>
      %dma_start3A_66 = tpu.memref_squeeze %dma_start3A_65 : memref<1x158x128xi32, #tpu.memory_space<hbm>> -> memref<158x128xi32, #tpu.memory_space<hbm>>
      tpu.enqueue_dma source(%dma_start3A_66 : memref<158x128xi32, #tpu.memory_space<hbm>>) target(%arg9 : memref<158x128xi32, #tpu.memory_space<vmem>>) target_semaphore(%run_scoped3A_58 : memref<!tpu.dma_semaphore, #tpu.memory_space<semaphore_mem>>)
      %dma_wait3A_67 = arith.constant 0 : i32
      %dma_wait3A_68 = arith.constant 0 : i32
      %dma_wait3A_69 = tpu.memref_slice %arg3[%add3A, %dma_wait3A_67, %dma_wait3A_68] : memref<32x158x128xi32, #tpu.memory_space<hbm>> -> memref<1x158x128xi32, #tpu.memory_space<hbm>>
      %dma_wait3A_70 = tpu.memref_squeeze %dma_wait3A_69 : memref<1x158x128xi32, #tpu.memory_space<hbm>> -> memref<158x128xi32, #tpu.memory_space<hbm>>
      %dma_wait3A_71 = arith.constant 0 : i32
      %dma_wait3A_72 = arith.constant 0 : i32
      %dma_wait3A_73 = tpu.memref_slice %arg3[%add3A, %dma_wait3A_71, %dma_wait3A_72] : memref<32x158x128xi32, #tpu.memory_space<hbm>> -> memref<1x158x128xi32, #tpu.memory_space<hbm>>
      %dma_wait3A_74 = tpu.memref_squeeze %dma_wait3A_73 : memref<1x158x128xi32, #tpu.memory_space<hbm>> -> memref<158x128xi32, #tpu.memory_space<hbm>>
      tpu.wait_dma2 semaphore(%run_scoped3A_58 : memref<!tpu.dma_semaphore, #tpu.memory_space<semaphore_mem>>) src(%dma_wait3A_74 : memref<158x128xi32, #tpu.memory_space<hbm>>) dst(%arg9 : memref<158x128xi32, #tpu.memory_space<vmem>>)
      tpu.yield
    }) : () -> ()
    "tpu.region"() ({
      %run_scoped3A_58 = tpu.sem_alloc : memref<!tpu.dma_semaphore, #tpu.memory_space<semaphore_mem>>
      %dma_start3A_59 = arith.constant 0 : i32
      %dma_start3A_60 = arith.constant 0 : i32
      %dma_start3A_61 = tpu.memref_slice %arg4[%add3A, %dma_start3A_59, %dma_start3A_60] : memref<32x158x128xi32, #tpu.memory_space<hbm>> -> memref<1x158x128xi32, #tpu.memory_space<hbm>>
      %dma_start3A_62 = tpu.memref_squeeze %dma_start3A_61 : memref<1x158x128xi32, #tpu.memory_space<hbm>> -> memref<158x128xi32, #tpu.memory_space<hbm>>
      %dma_start3A_63 = arith.constant 0 : i32
      %dma_start3A_64 = arith.constant 0 : i32
      %dma_start3A_65 = tpu.memref_slice %arg4[%add3A, %dma_start3A_63, %dma_start3A_64] : memref<32x158x128xi32, #tpu.memory_space<hbm>> -> memref<1x158x128xi32, #tpu.memory_space<hbm>>
      %dma_start3A_66 = tpu.memref_squeeze %dma_start3A_65 : memref<1x158x128xi32, #tpu.memory_space<hbm>> -> memref<158x128xi32, #tpu.memory_space<hbm>>
      tpu.enqueue_dma source(%dma_start3A_66 : memref<158x128xi32, #tpu.memory_space<hbm>>) target(%arg10 : memref<158x128xi32, #tpu.memory_space<vmem>>) target_semaphore(%run_scoped3A_58 : memref<!tpu.dma_semaphore, #tpu.memory_space<semaphore_mem>>)
      %dma_wait3A_67 = arith.constant 0 : i32
      %dma_wait3A_68 = arith.constant 0 : i32
      %dma_wait3A_69 = tpu.memref_slice %arg4[%add3A, %dma_wait3A_67, %dma_wait3A_68] : memref<32x158x128xi32, #tpu.memory_space<hbm>> -> memref<1x158x128xi32, #tpu.memory_space<hbm>>
      %dma_wait3A_70 = tpu.memref_squeeze %dma_wait3A_69 : memref<1x158x128xi32, #tpu.memory_space<hbm>> -> memref<158x128xi32, #tpu.memory_space<hbm>>
      %dma_wait3A_71 = arith.constant 0 : i32
      %dma_wait3A_72 = arith.constant 0 : i32
      %dma_wait3A_73 = tpu.memref_slice %arg4[%add3A, %dma_wait3A_71, %dma_wait3A_72] : memref<32x158x128xi32, #tpu.memory_space<hbm>> -> memref<1x158x128xi32, #tpu.memory_space<hbm>>
      %dma_wait3A_74 = tpu.memref_squeeze %dma_wait3A_73 : memref<1x158x128xi32, #tpu.memory_space<hbm>> -> memref<158x128xi32, #tpu.memory_space<hbm>>
      tpu.wait_dma2 semaphore(%run_scoped3A_58 : memref<!tpu.dma_semaphore, #tpu.memory_space<semaphore_mem>>) src(%dma_wait3A_74 : memref<158x128xi32, #tpu.memory_space<hbm>>) dst(%arg10 : memref<158x128xi32, #tpu.memory_space<vmem>>)
      tpu.yield
    }) : () -> ()
    "tpu.region"() ({
      %run_scoped3A_58 = tpu.sem_alloc : memref<!tpu.dma_semaphore, #tpu.memory_space<semaphore_mem>>
      tpu.enqueue_dma source(%arg5 : memref<128x64xf32, #tpu.memory_space<hbm>>) target(%arg13 : memref<128x64xf32, #tpu.memory_space<vmem>>) target_semaphore(%run_scoped3A_58 : memref<!tpu.dma_semaphore, #tpu.memory_space<semaphore_mem>>)
      tpu.wait_dma2 semaphore(%run_scoped3A_58 : memref<!tpu.dma_semaphore, #tpu.memory_space<semaphore_mem>>) src(%arg5 : memref<128x64xf32, #tpu.memory_space<hbm>>) dst(%arg13 : memref<128x64xf32, #tpu.memory_space<vmem>>)
      tpu.yield
    }) : () -> ()
    "tpu.region"() ({
      %run_scoped3A_58 = tpu.sem_alloc : memref<!tpu.dma_semaphore, #tpu.memory_space<semaphore_mem>>
      tpu.enqueue_dma source(%arg6 : memref<256x8xf32, #tpu.memory_space<hbm>>) target(%arg14 : memref<256x8xf32, #tpu.memory_space<vmem>>) target_semaphore(%run_scoped3A_58 : memref<!tpu.dma_semaphore, #tpu.memory_space<semaphore_mem>>)
      tpu.wait_dma2 semaphore(%run_scoped3A_58 : memref<!tpu.dma_semaphore, #tpu.memory_space<semaphore_mem>>) src(%arg6 : memref<256x8xf32, #tpu.memory_space<hbm>>) dst(%arg14 : memref<256x8xf32, #tpu.memory_space<vmem>>)
      tpu.yield
    }) : () -> ()
    %mul3A_1 = arith.constant 640 : i32
    %mul3A_2 = arith.muli %arg1, %mul3A_1 : i32
    %add3A_3 = arith.constant 0 : i32
    %add3A_4 = arith.addi %mul3A_2, %add3A_3 : i32
    "tpu.region"() ({
      %run_scoped3A_58 = tpu.sem_alloc : memref<!tpu.dma_semaphore, #tpu.memory_space<semaphore_mem>>
      %dma_start3A_59 = arith.constant 0 : i32
      %dma_start3A_60 = tpu.memref_slice %arg15[%add3A_4, %dma_start3A_59] : memref<10240x64xf32, #tpu.memory_space<vmem_shared>> -> memref<128x64xf32, #tpu.memory_space<vmem_shared>>
      %dma_start3A_61 = arith.constant 0 : i32
      %dma_start3A_62 = tpu.memref_slice %arg15[%add3A_4, %dma_start3A_61] : memref<10240x64xf32, #tpu.memory_space<vmem_shared>> -> memref<128x64xf32, #tpu.memory_space<vmem_shared>>
      tpu.enqueue_dma source(%arg13 : memref<128x64xf32, #tpu.memory_space<vmem>>) target(%dma_start3A_62 : memref<128x64xf32, #tpu.memory_space<vmem_shared>>) target_semaphore(%run_scoped3A_58 : memref<!tpu.dma_semaphore, #tpu.memory_space<semaphore_mem>>)
      %dma_wait3A_63 = arith.constant 0 : i32
      %dma_wait3A_64 = tpu.memref_slice %arg15[%add3A_4, %dma_wait3A_63] : memref<10240x64xf32, #tpu.memory_space<vmem_shared>> -> memref<128x64xf32, #tpu.memory_space<vmem_shared>>
      %dma_wait3A_65 = arith.constant 0 : i32
      %dma_wait3A_66 = tpu.memref_slice %arg15[%add3A_4, %dma_wait3A_65] : memref<10240x64xf32, #tpu.memory_space<vmem_shared>> -> memref<128x64xf32, #tpu.memory_space<vmem_shared>>
      tpu.wait_dma2 semaphore(%run_scoped3A_58 : memref<!tpu.dma_semaphore, #tpu.memory_space<semaphore_mem>>) src(%arg13 : memref<128x64xf32, #tpu.memory_space<vmem>>) dst(%dma_wait3A_66 : memref<128x64xf32, #tpu.memory_space<vmem_shared>>)
      tpu.yield
    }) : () -> ()
    "tpu.region"() ({
      %run_scoped3A_58 = tpu.sem_alloc : memref<!tpu.dma_semaphore, #tpu.memory_space<semaphore_mem>>
      %dma_start3A_59 = arith.constant 128 : i32
      %dma_start3A_60 = arith.constant 0 : i32
      %dma_start3A_61 = tpu.memref_slice %arg14[%dma_start3A_59, %dma_start3A_60] : memref<256x8xf32, #tpu.memory_space<vmem>> -> memref<128x8xf32, #tpu.memory_space<vmem>>
      %dma_start3A_62 = arith.constant 0 : i32
      %dma_start3A_63 = tpu.memref_slice %arg16[%add3A_4, %dma_start3A_62] : memref<10240x8xf32, #tpu.memory_space<vmem_shared>> -> memref<128x8xf32, #tpu.memory_space<vmem_shared>>
      %dma_start3A_64 = arith.constant 0 : i32
      %dma_start3A_65 = tpu.memref_slice %arg16[%add3A_4, %dma_start3A_64] : memref<10240x8xf32, #tpu.memory_space<vmem_shared>> -> memref<128x8xf32, #tpu.memory_space<vmem_shared>>
      %dma_start3A_66 = arith.constant 128 : i32
      %dma_start3A_67 = arith.constant 0 : i32
      %dma_start3A_68 = tpu.memref_slice %arg14[%dma_start3A_66, %dma_start3A_67] : memref<256x8xf32, #tpu.memory_space<vmem>> -> memref<128x8xf32, #tpu.memory_space<vmem>>
      tpu.enqueue_dma source(%dma_start3A_68 : memref<128x8xf32, #tpu.memory_space<vmem>>) target(%dma_start3A_65 : memref<128x8xf32, #tpu.memory_space<vmem_shared>>) target_semaphore(%run_scoped3A_58 : memref<!tpu.dma_semaphore, #tpu.memory_space<semaphore_mem>>)
      %dma_wait3A_69 = arith.constant 128 : i32
      %dma_wait3A_70 = arith.constant 0 : i32
      %dma_wait3A_71 = tpu.memref_slice %arg14[%dma_wait3A_69, %dma_wait3A_70] : memref<256x8xf32, #tpu.memory_space<vmem>> -> memref<128x8xf32, #tpu.memory_space<vmem>>
      %dma_wait3A_72 = arith.constant 0 : i32
      %dma_wait3A_73 = tpu.memref_slice %arg16[%add3A_4, %dma_wait3A_72] : memref<10240x8xf32, #tpu.memory_space<vmem_shared>> -> memref<128x8xf32, #tpu.memory_space<vmem_shared>>
      %dma_wait3A_74 = arith.constant 0 : i32
      %dma_wait3A_75 = tpu.memref_slice %arg16[%add3A_4, %dma_wait3A_74] : memref<10240x8xf32, #tpu.memory_space<vmem_shared>> -> memref<128x8xf32, #tpu.memory_space<vmem_shared>>
      %dma_wait3A_76 = arith.constant 128 : i32
      %dma_wait3A_77 = arith.constant 0 : i32
      %dma_wait3A_78 = tpu.memref_slice %arg14[%dma_wait3A_76, %dma_wait3A_77] : memref<256x8xf32, #tpu.memory_space<vmem>> -> memref<128x8xf32, #tpu.memory_space<vmem>>
      tpu.wait_dma2 semaphore(%run_scoped3A_58 : memref<!tpu.dma_semaphore, #tpu.memory_space<semaphore_mem>>) src(%dma_wait3A_78 : memref<128x8xf32, #tpu.memory_space<vmem>>) dst(%dma_wait3A_75 : memref<128x8xf32, #tpu.memory_space<vmem_shared>>)
      tpu.yield
    }) : () -> ()
    %add3A_5 = arith.constant 128 : i32
    %add3A_6 = arith.addi %mul3A_2, %add3A_5 : i32
    "tpu.region"() ({
      %run_scoped3A_58 = tpu.sem_alloc : memref<!tpu.dma_semaphore, #tpu.memory_space<semaphore_mem>>
      %dma_start3A_59 = arith.constant 0 : i32
      %dma_start3A_60 = tpu.memref_slice %arg15[%add3A_6, %dma_start3A_59] : memref<10240x64xf32, #tpu.memory_space<vmem_shared>> -> memref<128x64xf32, #tpu.memory_space<vmem_shared>>
      %dma_start3A_61 = arith.constant 0 : i32
      %dma_start3A_62 = tpu.memref_slice %arg15[%add3A_6, %dma_start3A_61] : memref<10240x64xf32, #tpu.memory_space<vmem_shared>> -> memref<128x64xf32, #tpu.memory_space<vmem_shared>>
      tpu.enqueue_dma source(%arg13 : memref<128x64xf32, #tpu.memory_space<vmem>>) target(%dma_start3A_62 : memref<128x64xf32, #tpu.memory_space<vmem_shared>>) target_semaphore(%run_scoped3A_58 : memref<!tpu.dma_semaphore, #tpu.memory_space<semaphore_mem>>)
      %dma_wait3A_63 = arith.constant 0 : i32
      %dma_wait3A_64 = tpu.memref_slice %arg15[%add3A_6, %dma_wait3A_63] : memref<10240x64xf32, #tpu.memory_space<vmem_shared>> -> memref<128x64xf32, #tpu.memory_space<vmem_shared>>
      %dma_wait3A_65 = arith.constant 0 : i32
      %dma_wait3A_66 = tpu.memref_slice %arg15[%add3A_6, %dma_wait3A_65] : memref<10240x64xf32, #tpu.memory_space<vmem_shared>> -> memref<128x64xf32, #tpu.memory_space<vmem_shared>>
      tpu.wait_dma2 semaphore(%run_scoped3A_58 : memref<!tpu.dma_semaphore, #tpu.memory_space<semaphore_mem>>) src(%arg13 : memref<128x64xf32, #tpu.memory_space<vmem>>) dst(%dma_wait3A_66 : memref<128x64xf32, #tpu.memory_space<vmem_shared>>)
      tpu.yield
    }) : () -> ()
    "tpu.region"() ({
      %run_scoped3A_58 = tpu.sem_alloc : memref<!tpu.dma_semaphore, #tpu.memory_space<semaphore_mem>>
      %dma_start3A_59 = arith.constant 128 : i32
      %dma_start3A_60 = arith.constant 0 : i32
      %dma_start3A_61 = tpu.memref_slice %arg14[%dma_start3A_59, %dma_start3A_60] : memref<256x8xf32, #tpu.memory_space<vmem>> -> memref<128x8xf32, #tpu.memory_space<vmem>>
      %dma_start3A_62 = arith.constant 0 : i32
      %dma_start3A_63 = tpu.memref_slice %arg16[%add3A_6, %dma_start3A_62] : memref<10240x8xf32, #tpu.memory_space<vmem_shared>> -> memref<128x8xf32, #tpu.memory_space<vmem_shared>>
      %dma_start3A_64 = arith.constant 0 : i32
      %dma_start3A_65 = tpu.memref_slice %arg16[%add3A_6, %dma_start3A_64] : memref<10240x8xf32, #tpu.memory_space<vmem_shared>> -> memref<128x8xf32, #tpu.memory_space<vmem_shared>>
      %dma_start3A_66 = arith.constant 128 : i32
      %dma_start3A_67 = arith.constant 0 : i32
      %dma_start3A_68 = tpu.memref_slice %arg14[%dma_start3A_66, %dma_start3A_67] : memref<256x8xf32, #tpu.memory_space<vmem>> -> memref<128x8xf32, #tpu.memory_space<vmem>>
      tpu.enqueue_dma source(%dma_start3A_68 : memref<128x8xf32, #tpu.memory_space<vmem>>) target(%dma_start3A_65 : memref<128x8xf32, #tpu.memory_space<vmem_shared>>) target_semaphore(%run_scoped3A_58 : memref<!tpu.dma_semaphore, #tpu.memory_space<semaphore_mem>>)
      %dma_wait3A_69 = arith.constant 128 : i32
      %dma_wait3A_70 = arith.constant 0 : i32
      %dma_wait3A_71 = tpu.memref_slice %arg14[%dma_wait3A_69, %dma_wait3A_70] : memref<256x8xf32, #tpu.memory_space<vmem>> -> memref<128x8xf32, #tpu.memory_space<vmem>>
      %dma_wait3A_72 = arith.constant 0 : i32
      %dma_wait3A_73 = tpu.memref_slice %arg16[%add3A_6, %dma_wait3A_72] : memref<10240x8xf32, #tpu.memory_space<vmem_shared>> -> memref<128x8xf32, #tpu.memory_space<vmem_shared>>
      %dma_wait3A_74 = arith.constant 0 : i32
      %dma_wait3A_75 = tpu.memref_slice %arg16[%add3A_6, %dma_wait3A_74] : memref<10240x8xf32, #tpu.memory_space<vmem_shared>> -> memref<128x8xf32, #tpu.memory_space<vmem_shared>>
      %dma_wait3A_76 = arith.constant 128 : i32
      %dma_wait3A_77 = arith.constant 0 : i32
      %dma_wait3A_78 = tpu.memref_slice %arg14[%dma_wait3A_76, %dma_wait3A_77] : memref<256x8xf32, #tpu.memory_space<vmem>> -> memref<128x8xf32, #tpu.memory_space<vmem>>
      tpu.wait_dma2 semaphore(%run_scoped3A_58 : memref<!tpu.dma_semaphore, #tpu.memory_space<semaphore_mem>>) src(%dma_wait3A_78 : memref<128x8xf32, #tpu.memory_space<vmem>>) dst(%dma_wait3A_75 : memref<128x8xf32, #tpu.memory_space<vmem_shared>>)
      tpu.yield
    }) : () -> ()
    %add3A_7 = arith.constant 256 : i32
    %add3A_8 = arith.addi %mul3A_2, %add3A_7 : i32
    "tpu.region"() ({
      %run_scoped3A_58 = tpu.sem_alloc : memref<!tpu.dma_semaphore, #tpu.memory_space<semaphore_mem>>
      %dma_start3A_59 = arith.constant 0 : i32
      %dma_start3A_60 = tpu.memref_slice %arg15[%add3A_8, %dma_start3A_59] : memref<10240x64xf32, #tpu.memory_space<vmem_shared>> -> memref<128x64xf32, #tpu.memory_space<vmem_shared>>
      %dma_start3A_61 = arith.constant 0 : i32
      %dma_start3A_62 = tpu.memref_slice %arg15[%add3A_8, %dma_start3A_61] : memref<10240x64xf32, #tpu.memory_space<vmem_shared>> -> memref<128x64xf32, #tpu.memory_space<vmem_shared>>
      tpu.enqueue_dma source(%arg13 : memref<128x64xf32, #tpu.memory_space<vmem>>) target(%dma_start3A_62 : memref<128x64xf32, #tpu.memory_space<vmem_shared>>) target_semaphore(%run_scoped3A_58 : memref<!tpu.dma_semaphore, #tpu.memory_space<semaphore_mem>>)
      %dma_wait3A_63 = arith.constant 0 : i32
      %dma_wait3A_64 = tpu.memref_slice %arg15[%add3A_8, %dma_wait3A_63] : memref<10240x64xf32, #tpu.memory_space<vmem_shared>> -> memref<128x64xf32, #tpu.memory_space<vmem_shared>>
      %dma_wait3A_65 = arith.constant 0 : i32
      %dma_wait3A_66 = tpu.memref_slice %arg15[%add3A_8, %dma_wait3A_65] : memref<10240x64xf32, #tpu.memory_space<vmem_shared>> -> memref<128x64xf32, #tpu.memory_space<vmem_shared>>
      tpu.wait_dma2 semaphore(%run_scoped3A_58 : memref<!tpu.dma_semaphore, #tpu.memory_space<semaphore_mem>>) src(%arg13 : memref<128x64xf32, #tpu.memory_space<vmem>>) dst(%dma_wait3A_66 : memref<128x64xf32, #tpu.memory_space<vmem_shared>>)
      tpu.yield
    }) : () -> ()
    "tpu.region"() ({
      %run_scoped3A_58 = tpu.sem_alloc : memref<!tpu.dma_semaphore, #tpu.memory_space<semaphore_mem>>
      %dma_start3A_59 = arith.constant 128 : i32
      %dma_start3A_60 = arith.constant 0 : i32
      %dma_start3A_61 = tpu.memref_slice %arg14[%dma_start3A_59, %dma_start3A_60] : memref<256x8xf32, #tpu.memory_space<vmem>> -> memref<128x8xf32, #tpu.memory_space<vmem>>
      %dma_start3A_62 = arith.constant 0 : i32
      %dma_start3A_63 = tpu.memref_slice %arg16[%add3A_8, %dma_start3A_62] : memref<10240x8xf32, #tpu.memory_space<vmem_shared>> -> memref<128x8xf32, #tpu.memory_space<vmem_shared>>
      %dma_start3A_64 = arith.constant 0 : i32
      %dma_start3A_65 = tpu.memref_slice %arg16[%add3A_8, %dma_start3A_64] : memref<10240x8xf32, #tpu.memory_space<vmem_shared>> -> memref<128x8xf32, #tpu.memory_space<vmem_shared>>
      %dma_start3A_66 = arith.constant 128 : i32
      %dma_start3A_67 = arith.constant 0 : i32
      %dma_start3A_68 = tpu.memref_slice %arg14[%dma_start3A_66, %dma_start3A_67] : memref<256x8xf32, #tpu.memory_space<vmem>> -> memref<128x8xf32, #tpu.memory_space<vmem>>
      tpu.enqueue_dma source(%dma_start3A_68 : memref<128x8xf32, #tpu.memory_space<vmem>>) target(%dma_start3A_65 : memref<128x8xf32, #tpu.memory_space<vmem_shared>>) target_semaphore(%run_scoped3A_58 : memref<!tpu.dma_semaphore, #tpu.memory_space<semaphore_mem>>)
      %dma_wait3A_69 = arith.constant 128 : i32
      %dma_wait3A_70 = arith.constant 0 : i32
      %dma_wait3A_71 = tpu.memref_slice %arg14[%dma_wait3A_69, %dma_wait3A_70] : memref<256x8xf32, #tpu.memory_space<vmem>> -> memref<128x8xf32, #tpu.memory_space<vmem>>
      %dma_wait3A_72 = arith.constant 0 : i32
      %dma_wait3A_73 = tpu.memref_slice %arg16[%add3A_8, %dma_wait3A_72] : memref<10240x8xf32, #tpu.memory_space<vmem_shared>> -> memref<128x8xf32, #tpu.memory_space<vmem_shared>>
      %dma_wait3A_74 = arith.constant 0 : i32
      %dma_wait3A_75 = tpu.memref_slice %arg16[%add3A_8, %dma_wait3A_74] : memref<10240x8xf32, #tpu.memory_space<vmem_shared>> -> memref<128x8xf32, #tpu.memory_space<vmem_shared>>
      %dma_wait3A_76 = arith.constant 128 : i32
      %dma_wait3A_77 = arith.constant 0 : i32
      %dma_wait3A_78 = tpu.memref_slice %arg14[%dma_wait3A_76, %dma_wait3A_77] : memref<256x8xf32, #tpu.memory_space<vmem>> -> memref<128x8xf32, #tpu.memory_space<vmem>>
      tpu.wait_dma2 semaphore(%run_scoped3A_58 : memref<!tpu.dma_semaphore, #tpu.memory_space<semaphore_mem>>) src(%dma_wait3A_78 : memref<128x8xf32, #tpu.memory_space<vmem>>) dst(%dma_wait3A_75 : memref<128x8xf32, #tpu.memory_space<vmem_shared>>)
      tpu.yield
    }) : () -> ()
    %add3A_9 = arith.constant 384 : i32
    %add3A_10 = arith.addi %mul3A_2, %add3A_9 : i32
    "tpu.region"() ({
      %run_scoped3A_58 = tpu.sem_alloc : memref<!tpu.dma_semaphore, #tpu.memory_space<semaphore_mem>>
      %dma_start3A_59 = arith.constant 0 : i32
      %dma_start3A_60 = tpu.memref_slice %arg15[%add3A_10, %dma_start3A_59] : memref<10240x64xf32, #tpu.memory_space<vmem_shared>> -> memref<128x64xf32, #tpu.memory_space<vmem_shared>>
      %dma_start3A_61 = arith.constant 0 : i32
      %dma_start3A_62 = tpu.memref_slice %arg15[%add3A_10, %dma_start3A_61] : memref<10240x64xf32, #tpu.memory_space<vmem_shared>> -> memref<128x64xf32, #tpu.memory_space<vmem_shared>>
      tpu.enqueue_dma source(%arg13 : memref<128x64xf32, #tpu.memory_space<vmem>>) target(%dma_start3A_62 : memref<128x64xf32, #tpu.memory_space<vmem_shared>>) target_semaphore(%run_scoped3A_58 : memref<!tpu.dma_semaphore, #tpu.memory_space<semaphore_mem>>)
      %dma_wait3A_63 = arith.constant 0 : i32
      %dma_wait3A_64 = tpu.memref_slice %arg15[%add3A_10, %dma_wait3A_63] : memref<10240x64xf32, #tpu.memory_space<vmem_shared>> -> memref<128x64xf32, #tpu.memory_space<vmem_shared>>
      %dma_wait3A_65 = arith.constant 0 : i32
      %dma_wait3A_66 = tpu.memref_slice %arg15[%add3A_10, %dma_wait3A_65] : memref<10240x64xf32, #tpu.memory_space<vmem_shared>> -> memref<128x64xf32, #tpu.memory_space<vmem_shared>>
      tpu.wait_dma2 semaphore(%run_scoped3A_58 : memref<!tpu.dma_semaphore, #tpu.memory_space<semaphore_mem>>) src(%arg13 : memref<128x64xf32, #tpu.memory_space<vmem>>) dst(%dma_wait3A_66 : memref<128x64xf32, #tpu.memory_space<vmem_shared>>)
      tpu.yield
    }) : () -> ()
    "tpu.region"() ({
      %run_scoped3A_58 = tpu.sem_alloc : memref<!tpu.dma_semaphore, #tpu.memory_space<semaphore_mem>>
      %dma_start3A_59 = arith.constant 128 : i32
      %dma_start3A_60 = arith.constant 0 : i32
      %dma_start3A_61 = tpu.memref_slice %arg14[%dma_start3A_59, %dma_start3A_60] : memref<256x8xf32, #tpu.memory_space<vmem>> -> memref<128x8xf32, #tpu.memory_space<vmem>>
      %dma_start3A_62 = arith.constant 0 : i32
      %dma_start3A_63 = tpu.memref_slice %arg16[%add3A_10, %dma_start3A_62] : memref<10240x8xf32, #tpu.memory_space<vmem_shared>> -> memref<128x8xf32, #tpu.memory_space<vmem_shared>>
      %dma_start3A_64 = arith.constant 0 : i32
      %dma_start3A_65 = tpu.memref_slice %arg16[%add3A_10, %dma_start3A_64] : memref<10240x8xf32, #tpu.memory_space<vmem_shared>> -> memref<128x8xf32, #tpu.memory_space<vmem_shared>>
      %dma_start3A_66 = arith.constant 128 : i32
      %dma_start3A_67 = arith.constant 0 : i32
      %dma_start3A_68 = tpu.memref_slice %arg14[%dma_start3A_66, %dma_start3A_67] : memref<256x8xf32, #tpu.memory_space<vmem>> -> memref<128x8xf32, #tpu.memory_space<vmem>>
      tpu.enqueue_dma source(%dma_start3A_68 : memref<128x8xf32, #tpu.memory_space<vmem>>) target(%dma_start3A_65 : memref<128x8xf32, #tpu.memory_space<vmem_shared>>) target_semaphore(%run_scoped3A_58 : memref<!tpu.dma_semaphore, #tpu.memory_space<semaphore_mem>>)
      %dma_wait3A_69 = arith.constant 128 : i32
      %dma_wait3A_70 = arith.constant 0 : i32
      %dma_wait3A_71 = tpu.memref_slice %arg14[%dma_wait3A_69, %dma_wait3A_70] : memref<256x8xf32, #tpu.memory_space<vmem>> -> memref<128x8xf32, #tpu.memory_space<vmem>>
      %dma_wait3A_72 = arith.constant 0 : i32
      %dma_wait3A_73 = tpu.memref_slice %arg16[%add3A_10, %dma_wait3A_72] : memref<10240x8xf32, #tpu.memory_space<vmem_shared>> -> memref<128x8xf32, #tpu.memory_space<vmem_shared>>
      %dma_wait3A_74 = arith.constant 0 : i32
      %dma_wait3A_75 = tpu.memref_slice %arg16[%add3A_10, %dma_wait3A_74] : memref<10240x8xf32, #tpu.memory_space<vmem_shared>> -> memref<128x8xf32, #tpu.memory_space<vmem_shared>>
      %dma_wait3A_76 = arith.constant 128 : i32
      %dma_wait3A_77 = arith.constant 0 : i32
      %dma_wait3A_78 = tpu.memref_slice %arg14[%dma_wait3A_76, %dma_wait3A_77] : memref<256x8xf32, #tpu.memory_space<vmem>> -> memref<128x8xf32, #tpu.memory_space<vmem>>
      tpu.wait_dma2 semaphore(%run_scoped3A_58 : memref<!tpu.dma_semaphore, #tpu.memory_space<semaphore_mem>>) src(%dma_wait3A_78 : memref<128x8xf32, #tpu.memory_space<vmem>>) dst(%dma_wait3A_75 : memref<128x8xf32, #tpu.memory_space<vmem_shared>>)
      tpu.yield
    }) : () -> ()
    %add3A_11 = arith.constant 512 : i32
    %add3A_12 = arith.addi %mul3A_2, %add3A_11 : i32
    "tpu.region"() ({
      %run_scoped3A_58 = tpu.sem_alloc : memref<!tpu.dma_semaphore, #tpu.memory_space<semaphore_mem>>
      %dma_start3A_59 = arith.constant 0 : i32
      %dma_start3A_60 = tpu.memref_slice %arg15[%add3A_12, %dma_start3A_59] : memref<10240x64xf32, #tpu.memory_space<vmem_shared>> -> memref<128x64xf32, #tpu.memory_space<vmem_shared>>
      %dma_start3A_61 = arith.constant 0 : i32
      %dma_start3A_62 = tpu.memref_slice %arg15[%add3A_12, %dma_start3A_61] : memref<10240x64xf32, #tpu.memory_space<vmem_shared>> -> memref<128x64xf32, #tpu.memory_space<vmem_shared>>
      tpu.enqueue_dma source(%arg13 : memref<128x64xf32, #tpu.memory_space<vmem>>) target(%dma_start3A_62 : memref<128x64xf32, #tpu.memory_space<vmem_shared>>) target_semaphore(%run_scoped3A_58 : memref<!tpu.dma_semaphore, #tpu.memory_space<semaphore_mem>>)
      %dma_wait3A_63 = arith.constant 0 : i32
      %dma_wait3A_64 = tpu.memref_slice %arg15[%add3A_12, %dma_wait3A_63] : memref<10240x64xf32, #tpu.memory_space<vmem_shared>> -> memref<128x64xf32, #tpu.memory_space<vmem_shared>>
      %dma_wait3A_65 = arith.constant 0 : i32
      %dma_wait3A_66 = tpu.memref_slice %arg15[%add3A_12, %dma_wait3A_65] : memref<10240x64xf32, #tpu.memory_space<vmem_shared>> -> memref<128x64xf32, #tpu.memory_space<vmem_shared>>
      tpu.wait_dma2 semaphore(%run_scoped3A_58 : memref<!tpu.dma_semaphore, #tpu.memory_space<semaphore_mem>>) src(%arg13 : memref<128x64xf32, #tpu.memory_space<vmem>>) dst(%dma_wait3A_66 : memref<128x64xf32, #tpu.memory_space<vmem_shared>>)
      tpu.yield
    }) : () -> ()
    "tpu.region"() ({
      %run_scoped3A_58 = tpu.sem_alloc : memref<!tpu.dma_semaphore, #tpu.memory_space<semaphore_mem>>
      %dma_start3A_59 = arith.constant 128 : i32
      %dma_start3A_60 = arith.constant 0 : i32
      %dma_start3A_61 = tpu.memref_slice %arg14[%dma_start3A_59, %dma_start3A_60] : memref<256x8xf32, #tpu.memory_space<vmem>> -> memref<128x8xf32, #tpu.memory_space<vmem>>
      %dma_start3A_62 = arith.constant 0 : i32
      %dma_start3A_63 = tpu.memref_slice %arg16[%add3A_12, %dma_start3A_62] : memref<10240x8xf32, #tpu.memory_space<vmem_shared>> -> memref<128x8xf32, #tpu.memory_space<vmem_shared>>
      %dma_start3A_64 = arith.constant 0 : i32
      %dma_start3A_65 = tpu.memref_slice %arg16[%add3A_12, %dma_start3A_64] : memref<10240x8xf32, #tpu.memory_space<vmem_shared>> -> memref<128x8xf32, #tpu.memory_space<vmem_shared>>
      %dma_start3A_66 = arith.constant 128 : i32
      %dma_start3A_67 = arith.constant 0 : i32
      %dma_start3A_68 = tpu.memref_slice %arg14[%dma_start3A_66, %dma_start3A_67] : memref<256x8xf32, #tpu.memory_space<vmem>> -> memref<128x8xf32, #tpu.memory_space<vmem>>
      tpu.enqueue_dma source(%dma_start3A_68 : memref<128x8xf32, #tpu.memory_space<vmem>>) target(%dma_start3A_65 : memref<128x8xf32, #tpu.memory_space<vmem_shared>>) target_semaphore(%run_scoped3A_58 : memref<!tpu.dma_semaphore, #tpu.memory_space<semaphore_mem>>)
      %dma_wait3A_69 = arith.constant 128 : i32
      %dma_wait3A_70 = arith.constant 0 : i32
      %dma_wait3A_71 = tpu.memref_slice %arg14[%dma_wait3A_69, %dma_wait3A_70] : memref<256x8xf32, #tpu.memory_space<vmem>> -> memref<128x8xf32, #tpu.memory_space<vmem>>
      %dma_wait3A_72 = arith.constant 0 : i32
      %dma_wait3A_73 = tpu.memref_slice %arg16[%add3A_12, %dma_wait3A_72] : memref<10240x8xf32, #tpu.memory_space<vmem_shared>> -> memref<128x8xf32, #tpu.memory_space<vmem_shared>>
      %dma_wait3A_74 = arith.constant 0 : i32
      %dma_wait3A_75 = tpu.memref_slice %arg16[%add3A_12, %dma_wait3A_74] : memref<10240x8xf32, #tpu.memory_space<vmem_shared>> -> memref<128x8xf32, #tpu.memory_space<vmem_shared>>
      %dma_wait3A_76 = arith.constant 128 : i32
      %dma_wait3A_77 = arith.constant 0 : i32
      %dma_wait3A_78 = tpu.memref_slice %arg14[%dma_wait3A_76, %dma_wait3A_77] : memref<256x8xf32, #tpu.memory_space<vmem>> -> memref<128x8xf32, #tpu.memory_space<vmem>>
      tpu.wait_dma2 semaphore(%run_scoped3A_58 : memref<!tpu.dma_semaphore, #tpu.memory_space<semaphore_mem>>) src(%dma_wait3A_78 : memref<128x8xf32, #tpu.memory_space<vmem>>) dst(%dma_wait3A_75 : memref<128x8xf32, #tpu.memory_space<vmem_shared>>)
      tpu.yield
    }) : () -> ()
    %barrier3A = arith.constant 0 : index
    tpu.barrier barrier_id(%barrier3A)
    %dma_start3A = arith.constant 0 : i32
    %dma_start3A_13 = arith.constant 0 : i32
    %dma_start3A_14 = tpu.memref_slice %arg9[%dma_start3A, %dma_start3A_13] : memref<158x128xi32, #tpu.memory_space<vmem>> -> memref<1x128xi32, #tpu.memory_space<vmem>>
    %dma_start3A_15 = tpu.memref_squeeze %dma_start3A_14 : memref<1x128xi32, #tpu.memory_space<vmem>> -> memref<128xi32, #tpu.memory_space<vmem>>
    %dma_start3A_16 = arith.constant 0 : i32
    %dma_start3A_17 = arith.constant 0 : i32
    %dma_start3A_18 = tpu.memref_slice %arg2[%dma_start3A_16, %dma_start3A_17] : memref<20480x64xf32, #tpu.memory_space<hbm>> -> memref<20480x64xf32, #tpu.memory_space<hbm>>
    tpu.enqueue_indirect_dma source(%dma_start3A_18 : memref<20480x64xf32, #tpu.memory_space<hbm>>) target(%arg11 : memref<128x64xf32, #tpu.memory_space<vmem>>) offsets(%dma_start3A_15 : memref<128xi32, #tpu.memory_space<vmem>>) semaphore(%arg17 : memref<!tpu.dma_semaphore, #tpu.memory_space<semaphore_mem>>)
    %dma_start3A_19 = arith.constant 1 : i32
    %dma_start3A_20 = arith.constant 0 : i32
    %dma_start3A_21 = tpu.memref_slice %arg9[%dma_start3A_19, %dma_start3A_20] : memref<158x128xi32, #tpu.memory_space<vmem>> -> memref<1x128xi32, #tpu.memory_space<vmem>>
    %dma_start3A_22 = tpu.memref_squeeze %dma_start3A_21 : memref<1x128xi32, #tpu.memory_space<vmem>> -> memref<128xi32, #tpu.memory_space<vmem>>
    %dma_start3A_23 = arith.constant 0 : i32
    %dma_start3A_24 = arith.constant 0 : i32
    %dma_start3A_25 = tpu.memref_slice %arg2[%dma_start3A_23, %dma_start3A_24] : memref<20480x64xf32, #tpu.memory_space<hbm>> -> memref<20480x64xf32, #tpu.memory_space<hbm>>
    tpu.enqueue_indirect_dma source(%dma_start3A_25 : memref<20480x64xf32, #tpu.memory_space<hbm>>) target(%arg12 : memref<128x64xf32, #tpu.memory_space<vmem>>) offsets(%dma_start3A_22 : memref<128xi32, #tpu.memory_space<vmem>>) semaphore(%arg18 : memref<!tpu.dma_semaphore, #tpu.memory_space<semaphore_mem>>)
    %scan3A = arith.constant 0 : i32
    %scan3A_26 = arith.constant 0 : i32
    %scan3A_27 = arith.constant 78 : i32
    %scan3A_28 = arith.addi %scan3A_26, %scan3A_27 : i32
    %scan3A_29 = arith.constant 1 : i32
    scf.for %scan3A_58 = %scan3A_26 to %scan3A_28 step %scan3A_29  : i32 {
      %mul3A_59 = arith.constant 2 : i32
      %mul3A_60 = arith.muli %mul3A_59, %scan3A_58 : i32
      %add3A_61 = arith.constant 0 : i32
      %add3A_62 = arith.addi %mul3A_60, %add3A_61 : i32
      %dma_wait3A_63 = arith.constant 0 : i32
      %dma_wait3A_64 = tpu.memref_slice %arg9[%add3A_62, %dma_wait3A_63] : memref<158x128xi32, #tpu.memory_space<vmem>> -> memref<1x128xi32, #tpu.memory_space<vmem>>
      %dma_wait3A_65 = tpu.memref_squeeze %dma_wait3A_64 : memref<1x128xi32, #tpu.memory_space<vmem>> -> memref<128xi32, #tpu.memory_space<vmem>>
      %dma_wait3A_66 = arith.constant 0 : i32
      %dma_wait3A_67 = arith.constant 0 : i32
      %dma_wait3A_68 = tpu.memref_slice %arg2[%dma_wait3A_66, %dma_wait3A_67] : memref<20480x64xf32, #tpu.memory_space<hbm>> -> memref<20480x64xf32, #tpu.memory_space<hbm>>
      tpu.wait_indirect_dma semaphore(%arg17 : memref<!tpu.dma_semaphore, #tpu.memory_space<semaphore_mem>>) src(%dma_wait3A_68 : memref<20480x64xf32, #tpu.memory_space<hbm>>) dst(%arg11 : memref<128x64xf32, #tpu.memory_space<vmem>>)
      "tpu.region"() ({
        %run_scoped3A_95 = tpu.sem_alloc : memref<!tpu.dma_semaphore, #tpu.memory_space<semaphore_mem>>
        %dma_start3A_96 = arith.constant 0 : i32
        %dma_start3A_97 = tpu.memref_slice %arg10[%add3A_62, %dma_start3A_96] : memref<158x128xi32, #tpu.memory_space<vmem>> -> memref<1x128xi32, #tpu.memory_space<vmem>>
        %dma_start3A_98 = tpu.memref_squeeze %dma_start3A_97 : memref<1x128xi32, #tpu.memory_space<vmem>> -> memref<128xi32, #tpu.memory_space<vmem>>
        %dma_start3A_99 = arith.constant 0 : i32
        %dma_start3A_100 = arith.constant 0 : i32
        %dma_start3A_101 = tpu.memref_slice %arg15[%dma_start3A_99, %dma_start3A_100] : memref<10240x64xf32, #tpu.memory_space<vmem_shared>> -> memref<10240x64xf32, #tpu.memory_space<vmem_shared>>
        tpu.enqueue_indirect_dma source(%arg11 : memref<128x64xf32, #tpu.memory_space<vmem>>) target(%dma_start3A_101 : memref<10240x64xf32, #tpu.memory_space<vmem_shared>>) offsets(%dma_start3A_98 : memref<128xi32, #tpu.memory_space<vmem>>) semaphore(%run_scoped3A_95 : memref<!tpu.dma_semaphore, #tpu.memory_space<semaphore_mem>>) {add = true}
        %dma_wait3A_102 = arith.constant 0 : i32
        %dma_wait3A_103 = tpu.memref_slice %arg10[%add3A_62, %dma_wait3A_102] : memref<158x128xi32, #tpu.memory_space<vmem>> -> memref<1x128xi32, #tpu.memory_space<vmem>>
        %dma_wait3A_104 = tpu.memref_squeeze %dma_wait3A_103 : memref<1x128xi32, #tpu.memory_space<vmem>> -> memref<128xi32, #tpu.memory_space<vmem>>
        %dma_wait3A_105 = arith.constant 0 : i32
        %dma_wait3A_106 = arith.constant 0 : i32
        %dma_wait3A_107 = tpu.memref_slice %arg15[%dma_wait3A_105, %dma_wait3A_106] : memref<10240x64xf32, #tpu.memory_space<vmem_shared>> -> memref<10240x64xf32, #tpu.memory_space<vmem_shared>>
        tpu.wait_indirect_dma semaphore(%run_scoped3A_95 : memref<!tpu.dma_semaphore, #tpu.memory_space<semaphore_mem>>) src(%arg11 : memref<128x64xf32, #tpu.memory_space<vmem>>) dst(%dma_wait3A_107 : memref<10240x64xf32, #tpu.memory_space<vmem_shared>>)
        tpu.yield
      }) : () -> ()
      %add3A_69 = arith.constant 2 : i32
      %add3A_70 = arith.addi %add3A_62, %add3A_69 : i32
      %dma_start3A_71 = arith.constant 0 : i32
      %dma_start3A_72 = tpu.memref_slice %arg9[%add3A_70, %dma_start3A_71] : memref<158x128xi32, #tpu.memory_space<vmem>> -> memref<1x128xi32, #tpu.memory_space<vmem>>
      %dma_start3A_73 = tpu.memref_squeeze %dma_start3A_72 : memref<1x128xi32, #tpu.memory_space<vmem>> -> memref<128xi32, #tpu.memory_space<vmem>>
      %dma_start3A_74 = arith.constant 0 : i32
      %dma_start3A_75 = arith.constant 0 : i32
      %dma_start3A_76 = tpu.memref_slice %arg2[%dma_start3A_74, %dma_start3A_75] : memref<20480x64xf32, #tpu.memory_space<hbm>> -> memref<20480x64xf32, #tpu.memory_space<hbm>>
      tpu.enqueue_indirect_dma source(%dma_start3A_76 : memref<20480x64xf32, #tpu.memory_space<hbm>>) target(%arg11 : memref<128x64xf32, #tpu.memory_space<vmem>>) offsets(%dma_start3A_73 : memref<128xi32, #tpu.memory_space<vmem>>) semaphore(%arg17 : memref<!tpu.dma_semaphore, #tpu.memory_space<semaphore_mem>>)
      "tpu.region"() ({
        %run_scoped3A_95 = tpu.sem_alloc : memref<!tpu.dma_semaphore, #tpu.memory_space<semaphore_mem>>
        %dma_start3A_96 = arith.constant 0 : i32
        %dma_start3A_97 = arith.constant 0 : i32
        %dma_start3A_98 = tpu.memref_slice %arg14[%dma_start3A_96, %dma_start3A_97] : memref<256x8xf32, #tpu.memory_space<vmem>> -> memref<128x8xf32, #tpu.memory_space<vmem>>
        %dma_start3A_99 = arith.constant 0 : i32
        %dma_start3A_100 = tpu.memref_slice %arg10[%add3A_62, %dma_start3A_99] : memref<158x128xi32, #tpu.memory_space<vmem>> -> memref<1x128xi32, #tpu.memory_space<vmem>>
        %dma_start3A_101 = tpu.memref_squeeze %dma_start3A_100 : memref<1x128xi32, #tpu.memory_space<vmem>> -> memref<128xi32, #tpu.memory_space<vmem>>
        %dma_start3A_102 = arith.constant 0 : i32
        %dma_start3A_103 = arith.constant 0 : i32
        %dma_start3A_104 = tpu.memref_slice %arg16[%dma_start3A_102, %dma_start3A_103] : memref<10240x8xf32, #tpu.memory_space<vmem_shared>> -> memref<10240x8xf32, #tpu.memory_space<vmem_shared>>
        tpu.enqueue_indirect_dma source(%dma_start3A_98 : memref<128x8xf32, #tpu.memory_space<vmem>>) target(%dma_start3A_104 : memref<10240x8xf32, #tpu.memory_space<vmem_shared>>) offsets(%dma_start3A_101 : memref<128xi32, #tpu.memory_space<vmem>>) semaphore(%run_scoped3A_95 : memref<!tpu.dma_semaphore, #tpu.memory_space<semaphore_mem>>) {add = true}
        %dma_wait3A_105 = arith.constant 0 : i32
        %dma_wait3A_106 = arith.constant 0 : i32
        %dma_wait3A_107 = tpu.memref_slice %arg14[%dma_wait3A_105, %dma_wait3A_106] : memref<256x8xf32, #tpu.memory_space<vmem>> -> memref<128x8xf32, #tpu.memory_space<vmem>>
        %dma_wait3A_108 = arith.constant 0 : i32
        %dma_wait3A_109 = tpu.memref_slice %arg10[%add3A_62, %dma_wait3A_108] : memref<158x128xi32, #tpu.memory_space<vmem>> -> memref<1x128xi32, #tpu.memory_space<vmem>>
        %dma_wait3A_110 = tpu.memref_squeeze %dma_wait3A_109 : memref<1x128xi32, #tpu.memory_space<vmem>> -> memref<128xi32, #tpu.memory_space<vmem>>
        %dma_wait3A_111 = arith.constant 0 : i32
        %dma_wait3A_112 = arith.constant 0 : i32
        %dma_wait3A_113 = tpu.memref_slice %arg16[%dma_wait3A_111, %dma_wait3A_112] : memref<10240x8xf32, #tpu.memory_space<vmem_shared>> -> memref<10240x8xf32, #tpu.memory_space<vmem_shared>>
        tpu.wait_indirect_dma semaphore(%run_scoped3A_95 : memref<!tpu.dma_semaphore, #tpu.memory_space<semaphore_mem>>) src(%dma_wait3A_107 : memref<128x8xf32, #tpu.memory_space<vmem>>) dst(%dma_wait3A_113 : memref<10240x8xf32, #tpu.memory_space<vmem_shared>>)
        tpu.yield
      }) : () -> ()
      %mul3A_77 = arith.constant 2 : i32
      %mul3A_78 = arith.muli %mul3A_77, %scan3A_58 : i32
      %add3A_79 = arith.constant 1 : i32
      %add3A_80 = arith.addi %mul3A_78, %add3A_79 : i32
      %dma_wait3A_81 = arith.constant 0 : i32
      %dma_wait3A_82 = tpu.memref_slice %arg9[%add3A_80, %dma_wait3A_81] : memref<158x128xi32, #tpu.memory_space<vmem>> -> memref<1x128xi32, #tpu.memory_space<vmem>>
      %dma_wait3A_83 = tpu.memref_squeeze %dma_wait3A_82 : memref<1x128xi32, #tpu.memory_space<vmem>> -> memref<128xi32, #tpu.memory_space<vmem>>
      %dma_wait3A_84 = arith.constant 0 : i32
      %dma_wait3A_85 = arith.constant 0 : i32
      %dma_wait3A_86 = tpu.memref_slice %arg2[%dma_wait3A_84, %dma_wait3A_85] : memref<20480x64xf32, #tpu.memory_space<hbm>> -> memref<20480x64xf32, #tpu.memory_space<hbm>>
      tpu.wait_indirect_dma semaphore(%arg18 : memref<!tpu.dma_semaphore, #tpu.memory_space<semaphore_mem>>) src(%dma_wait3A_86 : memref<20480x64xf32, #tpu.memory_space<hbm>>) dst(%arg12 : memref<128x64xf32, #tpu.memory_space<vmem>>)
      "tpu.region"() ({
        %run_scoped3A_95 = tpu.sem_alloc : memref<!tpu.dma_semaphore, #tpu.memory_space<semaphore_mem>>
        %dma_start3A_96 = arith.constant 0 : i32
        %dma_start3A_97 = tpu.memref_slice %arg10[%add3A_80, %dma_start3A_96] : memref<158x128xi32, #tpu.memory_space<vmem>> -> memref<1x128xi32, #tpu.memory_space<vmem>>
        %dma_start3A_98 = tpu.memref_squeeze %dma_start3A_97 : memref<1x128xi32, #tpu.memory_space<vmem>> -> memref<128xi32, #tpu.memory_space<vmem>>
        %dma_start3A_99 = arith.constant 0 : i32
        %dma_start3A_100 = arith.constant 0 : i32
        %dma_start3A_101 = tpu.memref_slice %arg15[%dma_start3A_99, %dma_start3A_100] : memref<10240x64xf32, #tpu.memory_space<vmem_shared>> -> memref<10240x64xf32, #tpu.memory_space<vmem_shared>>
        tpu.enqueue_indirect_dma source(%arg12 : memref<128x64xf32, #tpu.memory_space<vmem>>) target(%dma_start3A_101 : memref<10240x64xf32, #tpu.memory_space<vmem_shared>>) offsets(%dma_start3A_98 : memref<128xi32, #tpu.memory_space<vmem>>) semaphore(%run_scoped3A_95 : memref<!tpu.dma_semaphore, #tpu.memory_space<semaphore_mem>>) {add = true}
        %dma_wait3A_102 = arith.constant 0 : i32
        %dma_wait3A_103 = tpu.memref_slice %arg10[%add3A_80, %dma_wait3A_102] : memref<158x128xi32, #tpu.memory_space<vmem>> -> memref<1x128xi32, #tpu.memory_space<vmem>>
        %dma_wait3A_104 = tpu.memref_squeeze %dma_wait3A_103 : memref<1x128xi32, #tpu.memory_space<vmem>> -> memref<128xi32, #tpu.memory_space<vmem>>
        %dma_wait3A_105 = arith.constant 0 : i32
        %dma_wait3A_106 = arith.constant 0 : i32
        %dma_wait3A_107 = tpu.memref_slice %arg15[%dma_wait3A_105, %dma_wait3A_106] : memref<10240x64xf32, #tpu.memory_space<vmem_shared>> -> memref<10240x64xf32, #tpu.memory_space<vmem_shared>>
        tpu.wait_indirect_dma semaphore(%run_scoped3A_95 : memref<!tpu.dma_semaphore, #tpu.memory_space<semaphore_mem>>) src(%arg12 : memref<128x64xf32, #tpu.memory_space<vmem>>) dst(%dma_wait3A_107 : memref<10240x64xf32, #tpu.memory_space<vmem_shared>>)
        tpu.yield
      }) : () -> ()
      %add3A_87 = arith.constant 2 : i32
      %add3A_88 = arith.addi %add3A_80, %add3A_87 : i32
      %dma_start3A_89 = arith.constant 0 : i32
      %dma_start3A_90 = tpu.memref_slice %arg9[%add3A_88, %dma_start3A_89] : memref<158x128xi32, #tpu.memory_space<vmem>> -> memref<1x128xi32, #tpu.memory_space<vmem>>
      %dma_start3A_91 = tpu.memref_squeeze %dma_start3A_90 : memref<1x128xi32, #tpu.memory_space<vmem>> -> memref<128xi32, #tpu.memory_space<vmem>>
      %dma_start3A_92 = arith.constant 0 : i32
      %dma_start3A_93 = arith.constant 0 : i32
      %dma_start3A_94 = tpu.memref_slice %arg2[%dma_start3A_92, %dma_start3A_93] : memref<20480x64xf32, #tpu.memory_space<hbm>> -> memref<20480x64xf32, #tpu.memory_space<hbm>>
      tpu.enqueue_indirect_dma source(%dma_start3A_94 : memref<20480x64xf32, #tpu.memory_space<hbm>>) target(%arg12 : memref<128x64xf32, #tpu.memory_space<vmem>>) offsets(%dma_start3A_91 : memref<128xi32, #tpu.memory_space<vmem>>) semaphore(%arg18 : memref<!tpu.dma_semaphore, #tpu.memory_space<semaphore_mem>>)
      "tpu.region"() ({
        %run_scoped3A_95 = tpu.sem_alloc : memref<!tpu.dma_semaphore, #tpu.memory_space<semaphore_mem>>
        %dma_start3A_96 = arith.constant 0 : i32
        %dma_start3A_97 = arith.constant 0 : i32
        %dma_start3A_98 = tpu.memref_slice %arg14[%dma_start3A_96, %dma_start3A_97] : memref<256x8xf32, #tpu.memory_space<vmem>> -> memref<128x8xf32, #tpu.memory_space<vmem>>
        %dma_start3A_99 = arith.constant 0 : i32
        %dma_start3A_100 = tpu.memref_slice %arg10[%add3A_80, %dma_start3A_99] : memref<158x128xi32, #tpu.memory_space<vmem>> -> memref<1x128xi32, #tpu.memory_space<vmem>>
        %dma_start3A_101 = tpu.memref_squeeze %dma_start3A_100 : memref<1x128xi32, #tpu.memory_space<vmem>> -> memref<128xi32, #tpu.memory_space<vmem>>
        %dma_start3A_102 = arith.constant 0 : i32
        %dma_start3A_103 = arith.constant 0 : i32
        %dma_start3A_104 = tpu.memref_slice %arg16[%dma_start3A_102, %dma_start3A_103] : memref<10240x8xf32, #tpu.memory_space<vmem_shared>> -> memref<10240x8xf32, #tpu.memory_space<vmem_shared>>
        tpu.enqueue_indirect_dma source(%dma_start3A_98 : memref<128x8xf32, #tpu.memory_space<vmem>>) target(%dma_start3A_104 : memref<10240x8xf32, #tpu.memory_space<vmem_shared>>) offsets(%dma_start3A_101 : memref<128xi32, #tpu.memory_space<vmem>>) semaphore(%run_scoped3A_95 : memref<!tpu.dma_semaphore, #tpu.memory_space<semaphore_mem>>) {add = true}
        %dma_wait3A_105 = arith.constant 0 : i32
        %dma_wait3A_106 = arith.constant 0 : i32
        %dma_wait3A_107 = tpu.memref_slice %arg14[%dma_wait3A_105, %dma_wait3A_106] : memref<256x8xf32, #tpu.memory_space<vmem>> -> memref<128x8xf32, #tpu.memory_space<vmem>>
        %dma_wait3A_108 = arith.constant 0 : i32
        %dma_wait3A_109 = tpu.memref_slice %arg10[%add3A_80, %dma_wait3A_108] : memref<158x128xi32, #tpu.memory_space<vmem>> -> memref<1x128xi32, #tpu.memory_space<vmem>>
        %dma_wait3A_110 = tpu.memref_squeeze %dma_wait3A_109 : memref<1x128xi32, #tpu.memory_space<vmem>> -> memref<128xi32, #tpu.memory_space<vmem>>
        %dma_wait3A_111 = arith.constant 0 : i32
        %dma_wait3A_112 = arith.constant 0 : i32
        %dma_wait3A_113 = tpu.memref_slice %arg16[%dma_wait3A_111, %dma_wait3A_112] : memref<10240x8xf32, #tpu.memory_space<vmem_shared>> -> memref<10240x8xf32, #tpu.memory_space<vmem_shared>>
        tpu.wait_indirect_dma semaphore(%run_scoped3A_95 : memref<!tpu.dma_semaphore, #tpu.memory_space<semaphore_mem>>) src(%dma_wait3A_107 : memref<128x8xf32, #tpu.memory_space<vmem>>) dst(%dma_wait3A_113 : memref<10240x8xf32, #tpu.memory_space<vmem_shared>>)
        tpu.yield
      }) : () -> ()
    }
    %scan3A_30 = arith.constant 78 : i32
    %dma_wait3A = arith.constant 156 : i32
    %dma_wait3A_31 = arith.constant 0 : i32
    %dma_wait3A_32 = tpu.memref_slice %arg9[%dma_wait3A, %dma_wait3A_31] : memref<158x128xi32, #tpu.memory_space<vmem>> -> memref<1x128xi32, #tpu.memory_space<vmem>>
    %dma_wait3A_33 = tpu.memref_squeeze %dma_wait3A_32 : memref<1x128xi32, #tpu.memory_space<vmem>> -> memref<128xi32, #tpu.memory_space<vmem>>
    %dma_wait3A_34 = arith.constant 0 : i32
    %dma_wait3A_35 = arith.constant 0 : i32
    %dma_wait3A_36 = tpu.memref_slice %arg2[%dma_wait3A_34, %dma_wait3A_35] : memref<20480x64xf32, #tpu.memory_space<hbm>> -> memref<20480x64xf32, #tpu.memory_space<hbm>>
    tpu.wait_indirect_dma semaphore(%arg17 : memref<!tpu.dma_semaphore, #tpu.memory_space<semaphore_mem>>) src(%dma_wait3A_36 : memref<20480x64xf32, #tpu.memory_space<hbm>>) dst(%arg11 : memref<128x64xf32, #tpu.memory_space<vmem>>)
    %run_scoped3A = arith.constant 156 : i32
    "tpu.region"() ({
      %run_scoped3A_58 = tpu.sem_alloc : memref<!tpu.dma_semaphore, #tpu.memory_space<semaphore_mem>>
      %dma_start3A_59 = arith.constant 0 : i32
      %dma_start3A_60 = tpu.memref_slice %arg10[%run_scoped3A, %dma_start3A_59] : memref<158x128xi32, #tpu.memory_space<vmem>> -> memref<1x128xi32, #tpu.memory_space<vmem>>
      %dma_start3A_61 = tpu.memref_squeeze %dma_start3A_60 : memref<1x128xi32, #tpu.memory_space<vmem>> -> memref<128xi32, #tpu.memory_space<vmem>>
      %dma_start3A_62 = arith.constant 0 : i32
      %dma_start3A_63 = arith.constant 0 : i32
      %dma_start3A_64 = tpu.memref_slice %arg15[%dma_start3A_62, %dma_start3A_63] : memref<10240x64xf32, #tpu.memory_space<vmem_shared>> -> memref<10240x64xf32, #tpu.memory_space<vmem_shared>>
      tpu.enqueue_indirect_dma source(%arg11 : memref<128x64xf32, #tpu.memory_space<vmem>>) target(%dma_start3A_64 : memref<10240x64xf32, #tpu.memory_space<vmem_shared>>) offsets(%dma_start3A_61 : memref<128xi32, #tpu.memory_space<vmem>>) semaphore(%run_scoped3A_58 : memref<!tpu.dma_semaphore, #tpu.memory_space<semaphore_mem>>) {add = true}
      %dma_wait3A_65 = arith.constant 0 : i32
      %dma_wait3A_66 = tpu.memref_slice %arg10[%run_scoped3A, %dma_wait3A_65] : memref<158x128xi32, #tpu.memory_space<vmem>> -> memref<1x128xi32, #tpu.memory_space<vmem>>
      %dma_wait3A_67 = tpu.memref_squeeze %dma_wait3A_66 : memref<1x128xi32, #tpu.memory_space<vmem>> -> memref<128xi32, #tpu.memory_space<vmem>>
      %dma_wait3A_68 = arith.constant 0 : i32
      %dma_wait3A_69 = arith.constant 0 : i32
      %dma_wait3A_70 = tpu.memref_slice %arg15[%dma_wait3A_68, %dma_wait3A_69] : memref<10240x64xf32, #tpu.memory_space<vmem_shared>> -> memref<10240x64xf32, #tpu.memory_space<vmem_shared>>
      tpu.wait_indirect_dma semaphore(%run_scoped3A_58 : memref<!tpu.dma_semaphore, #tpu.memory_space<semaphore_mem>>) src(%arg11 : memref<128x64xf32, #tpu.memory_space<vmem>>) dst(%dma_wait3A_70 : memref<10240x64xf32, #tpu.memory_space<vmem_shared>>)
      tpu.yield
    }) : () -> ()
    %run_scoped3A_37 = arith.constant 156 : i32
    "tpu.region"() ({
      %run_scoped3A_58 = tpu.sem_alloc : memref<!tpu.dma_semaphore, #tpu.memory_space<semaphore_mem>>
      %dma_start3A_59 = arith.constant 0 : i32
      %dma_start3A_60 = arith.constant 0 : i32
      %dma_start3A_61 = tpu.memref_slice %arg14[%dma_start3A_59, %dma_start3A_60] : memref<256x8xf32, #tpu.memory_space<vmem>> -> memref<128x8xf32, #tpu.memory_space<vmem>>
      %dma_start3A_62 = arith.constant 0 : i32
      %dma_start3A_63 = tpu.memref_slice %arg10[%run_scoped3A_37, %dma_start3A_62] : memref<158x128xi32, #tpu.memory_space<vmem>> -> memref<1x128xi32, #tpu.memory_space<vmem>>
      %dma_start3A_64 = tpu.memref_squeeze %dma_start3A_63 : memref<1x128xi32, #tpu.memory_space<vmem>> -> memref<128xi32, #tpu.memory_space<vmem>>
      %dma_start3A_65 = arith.constant 0 : i32
      %dma_start3A_66 = arith.constant 0 : i32
      %dma_start3A_67 = tpu.memref_slice %arg16[%dma_start3A_65, %dma_start3A_66] : memref<10240x8xf32, #tpu.memory_space<vmem_shared>> -> memref<10240x8xf32, #tpu.memory_space<vmem_shared>>
      tpu.enqueue_indirect_dma source(%dma_start3A_61 : memref<128x8xf32, #tpu.memory_space<vmem>>) target(%dma_start3A_67 : memref<10240x8xf32, #tpu.memory_space<vmem_shared>>) offsets(%dma_start3A_64 : memref<128xi32, #tpu.memory_space<vmem>>) semaphore(%run_scoped3A_58 : memref<!tpu.dma_semaphore, #tpu.memory_space<semaphore_mem>>) {add = true}
      %dma_wait3A_68 = arith.constant 0 : i32
      %dma_wait3A_69 = arith.constant 0 : i32
      %dma_wait3A_70 = tpu.memref_slice %arg14[%dma_wait3A_68, %dma_wait3A_69] : memref<256x8xf32, #tpu.memory_space<vmem>> -> memref<128x8xf32, #tpu.memory_space<vmem>>
      %dma_wait3A_71 = arith.constant 0 : i32
      %dma_wait3A_72 = tpu.memref_slice %arg10[%run_scoped3A_37, %dma_wait3A_71] : memref<158x128xi32, #tpu.memory_space<vmem>> -> memref<1x128xi32, #tpu.memory_space<vmem>>
      %dma_wait3A_73 = tpu.memref_squeeze %dma_wait3A_72 : memref<1x128xi32, #tpu.memory_space<vmem>> -> memref<128xi32, #tpu.memory_space<vmem>>
      %dma_wait3A_74 = arith.constant 0 : i32
      %dma_wait3A_75 = arith.constant 0 : i32
      %dma_wait3A_76 = tpu.memref_slice %arg16[%dma_wait3A_74, %dma_wait3A_75] : memref<10240x8xf32, #tpu.memory_space<vmem_shared>> -> memref<10240x8xf32, #tpu.memory_space<vmem_shared>>
      tpu.wait_indirect_dma semaphore(%run_scoped3A_58 : memref<!tpu.dma_semaphore, #tpu.memory_space<semaphore_mem>>) src(%dma_wait3A_70 : memref<128x8xf32, #tpu.memory_space<vmem>>) dst(%dma_wait3A_76 : memref<10240x8xf32, #tpu.memory_space<vmem_shared>>)
      tpu.yield
    }) : () -> ()
    %dma_wait3A_38 = arith.constant 157 : i32
    %dma_wait3A_39 = arith.constant 0 : i32
    %dma_wait3A_40 = tpu.memref_slice %arg9[%dma_wait3A_38, %dma_wait3A_39] : memref<158x128xi32, #tpu.memory_space<vmem>> -> memref<1x128xi32, #tpu.memory_space<vmem>>
    %dma_wait3A_41 = tpu.memref_squeeze %dma_wait3A_40 : memref<1x128xi32, #tpu.memory_space<vmem>> -> memref<128xi32, #tpu.memory_space<vmem>>
    %dma_wait3A_42 = arith.constant 0 : i32
    %dma_wait3A_43 = arith.constant 0 : i32
    %dma_wait3A_44 = tpu.memref_slice %arg2[%dma_wait3A_42, %dma_wait3A_43] : memref<20480x64xf32, #tpu.memory_space<hbm>> -> memref<20480x64xf32, #tpu.memory_space<hbm>>
    tpu.wait_indirect_dma semaphore(%arg18 : memref<!tpu.dma_semaphore, #tpu.memory_space<semaphore_mem>>) src(%dma_wait3A_44 : memref<20480x64xf32, #tpu.memory_space<hbm>>) dst(%arg12 : memref<128x64xf32, #tpu.memory_space<vmem>>)
    %run_scoped3A_45 = arith.constant 157 : i32
    "tpu.region"() ({
      %run_scoped3A_58 = tpu.sem_alloc : memref<!tpu.dma_semaphore, #tpu.memory_space<semaphore_mem>>
      %dma_start3A_59 = arith.constant 0 : i32
      %dma_start3A_60 = tpu.memref_slice %arg10[%run_scoped3A_45, %dma_start3A_59] : memref<158x128xi32, #tpu.memory_space<vmem>> -> memref<1x128xi32, #tpu.memory_space<vmem>>
      %dma_start3A_61 = tpu.memref_squeeze %dma_start3A_60 : memref<1x128xi32, #tpu.memory_space<vmem>> -> memref<128xi32, #tpu.memory_space<vmem>>
      %dma_start3A_62 = arith.constant 0 : i32
      %dma_start3A_63 = arith.constant 0 : i32
      %dma_start3A_64 = tpu.memref_slice %arg15[%dma_start3A_62, %dma_start3A_63] : memref<10240x64xf32, #tpu.memory_space<vmem_shared>> -> memref<10240x64xf32, #tpu.memory_space<vmem_shared>>
      tpu.enqueue_indirect_dma source(%arg12 : memref<128x64xf32, #tpu.memory_space<vmem>>) target(%dma_start3A_64 : memref<10240x64xf32, #tpu.memory_space<vmem_shared>>) offsets(%dma_start3A_61 : memref<128xi32, #tpu.memory_space<vmem>>) semaphore(%run_scoped3A_58 : memref<!tpu.dma_semaphore, #tpu.memory_space<semaphore_mem>>) {add = true}
      %dma_wait3A_65 = arith.constant 0 : i32
      %dma_wait3A_66 = tpu.memref_slice %arg10[%run_scoped3A_45, %dma_wait3A_65] : memref<158x128xi32, #tpu.memory_space<vmem>> -> memref<1x128xi32, #tpu.memory_space<vmem>>
      %dma_wait3A_67 = tpu.memref_squeeze %dma_wait3A_66 : memref<1x128xi32, #tpu.memory_space<vmem>> -> memref<128xi32, #tpu.memory_space<vmem>>
      %dma_wait3A_68 = arith.constant 0 : i32
      %dma_wait3A_69 = arith.constant 0 : i32
      %dma_wait3A_70 = tpu.memref_slice %arg15[%dma_wait3A_68, %dma_wait3A_69] : memref<10240x64xf32, #tpu.memory_space<vmem_shared>> -> memref<10240x64xf32, #tpu.memory_space<vmem_shared>>
      tpu.wait_indirect_dma semaphore(%run_scoped3A_58 : memref<!tpu.dma_semaphore, #tpu.memory_space<semaphore_mem>>) src(%arg12 : memref<128x64xf32, #tpu.memory_space<vmem>>) dst(%dma_wait3A_70 : memref<10240x64xf32, #tpu.memory_space<vmem_shared>>)
      tpu.yield
    }) : () -> ()
    %run_scoped3A_46 = arith.constant 157 : i32
    "tpu.region"() ({
      %run_scoped3A_58 = tpu.sem_alloc : memref<!tpu.dma_semaphore, #tpu.memory_space<semaphore_mem>>
      %dma_start3A_59 = arith.constant 0 : i32
      %dma_start3A_60 = arith.constant 0 : i32
      %dma_start3A_61 = tpu.memref_slice %arg14[%dma_start3A_59, %dma_start3A_60] : memref<256x8xf32, #tpu.memory_space<vmem>> -> memref<128x8xf32, #tpu.memory_space<vmem>>
      %dma_start3A_62 = arith.constant 0 : i32
      %dma_start3A_63 = tpu.memref_slice %arg10[%run_scoped3A_46, %dma_start3A_62] : memref<158x128xi32, #tpu.memory_space<vmem>> -> memref<1x128xi32, #tpu.memory_space<vmem>>
      %dma_start3A_64 = tpu.memref_squeeze %dma_start3A_63 : memref<1x128xi32, #tpu.memory_space<vmem>> -> memref<128xi32, #tpu.memory_space<vmem>>
      %dma_start3A_65 = arith.constant 0 : i32
      %dma_start3A_66 = arith.constant 0 : i32
      %dma_start3A_67 = tpu.memref_slice %arg16[%dma_start3A_65, %dma_start3A_66] : memref<10240x8xf32, #tpu.memory_space<vmem_shared>> -> memref<10240x8xf32, #tpu.memory_space<vmem_shared>>
      tpu.enqueue_indirect_dma source(%dma_start3A_61 : memref<128x8xf32, #tpu.memory_space<vmem>>) target(%dma_start3A_67 : memref<10240x8xf32, #tpu.memory_space<vmem_shared>>) offsets(%dma_start3A_64 : memref<128xi32, #tpu.memory_space<vmem>>) semaphore(%run_scoped3A_58 : memref<!tpu.dma_semaphore, #tpu.memory_space<semaphore_mem>>) {add = true}
      %dma_wait3A_68 = arith.constant 0 : i32
      %dma_wait3A_69 = arith.constant 0 : i32
      %dma_wait3A_70 = tpu.memref_slice %arg14[%dma_wait3A_68, %dma_wait3A_69] : memref<256x8xf32, #tpu.memory_space<vmem>> -> memref<128x8xf32, #tpu.memory_space<vmem>>
      %dma_wait3A_71 = arith.constant 0 : i32
      %dma_wait3A_72 = tpu.memref_slice %arg10[%run_scoped3A_46, %dma_wait3A_71] : memref<158x128xi32, #tpu.memory_space<vmem>> -> memref<1x128xi32, #tpu.memory_space<vmem>>
      %dma_wait3A_73 = tpu.memref_squeeze %dma_wait3A_72 : memref<1x128xi32, #tpu.memory_space<vmem>> -> memref<128xi32, #tpu.memory_space<vmem>>
      %dma_wait3A_74 = arith.constant 0 : i32
      %dma_wait3A_75 = arith.constant 0 : i32
      %dma_wait3A_76 = tpu.memref_slice %arg16[%dma_wait3A_74, %dma_wait3A_75] : memref<10240x8xf32, #tpu.memory_space<vmem_shared>> -> memref<10240x8xf32, #tpu.memory_space<vmem_shared>>
      tpu.wait_indirect_dma semaphore(%run_scoped3A_58 : memref<!tpu.dma_semaphore, #tpu.memory_space<semaphore_mem>>) src(%dma_wait3A_70 : memref<128x8xf32, #tpu.memory_space<vmem>>) dst(%dma_wait3A_76 : memref<10240x8xf32, #tpu.memory_space<vmem_shared>>)
      tpu.yield
    }) : () -> ()
    %barrier3A_47 = arith.constant 0 : index
    tpu.barrier barrier_id(%barrier3A_47)
    %add3A_48 = arith.constant 0 : i32
    %add3A_49 = arith.addi %mul3A_2, %add3A_48 : i32
    "tpu.region"() ({
      %run_scoped3A_58 = tpu.sem_alloc : memref<!tpu.dma_semaphore, #tpu.memory_space<semaphore_mem>>
      %dma_start3A_59 = arith.constant 0 : i32
      %dma_start3A_60 = tpu.memref_slice %arg7[%arg0, %add3A_49, %dma_start3A_59] : memref<2x10240x64xf32, #tpu.memory_space<hbm>> -> memref<1x128x64xf32, #tpu.memory_space<hbm>>
      %dma_start3A_61 = tpu.memref_squeeze %dma_start3A_60 : memref<1x128x64xf32, #tpu.memory_space<hbm>> -> memref<128x64xf32, #tpu.memory_space<hbm>>
      %dma_start3A_62 = arith.constant 0 : i32
      %dma_start3A_63 = tpu.memref_slice %arg15[%add3A_49, %dma_start3A_62] : memref<10240x64xf32, #tpu.memory_space<vmem_shared>> -> memref<128x64xf32, #tpu.memory_space<vmem_shared>>
      tpu.enqueue_dma source(%dma_start3A_63 : memref<128x64xf32, #tpu.memory_space<vmem_shared>>) target(%dma_start3A_61 : memref<128x64xf32, #tpu.memory_space<hbm>>) target_semaphore(%run_scoped3A_58 : memref<!tpu.dma_semaphore, #tpu.memory_space<semaphore_mem>>)
      %dma_wait3A_64 = arith.constant 0 : i32
      %dma_wait3A_65 = tpu.memref_slice %arg7[%arg0, %add3A_49, %dma_wait3A_64] : memref<2x10240x64xf32, #tpu.memory_space<hbm>> -> memref<1x128x64xf32, #tpu.memory_space<hbm>>
      %dma_wait3A_66 = tpu.memref_squeeze %dma_wait3A_65 : memref<1x128x64xf32, #tpu.memory_space<hbm>> -> memref<128x64xf32, #tpu.memory_space<hbm>>
      %dma_wait3A_67 = arith.constant 0 : i32
      %dma_wait3A_68 = tpu.memref_slice %arg15[%add3A_49, %dma_wait3A_67] : memref<10240x64xf32, #tpu.memory_space<vmem_shared>> -> memref<128x64xf32, #tpu.memory_space<vmem_shared>>
      tpu.wait_dma2 semaphore(%run_scoped3A_58 : memref<!tpu.dma_semaphore, #tpu.memory_space<semaphore_mem>>) src(%dma_wait3A_68 : memref<128x64xf32, #tpu.memory_space<vmem_shared>>) dst(%dma_wait3A_66 : memref<128x64xf32, #tpu.memory_space<hbm>>)
      tpu.yield
    }) : () -> ()
    "tpu.region"() ({
      %run_scoped3A_58 = tpu.sem_alloc : memref<!tpu.dma_semaphore, #tpu.memory_space<semaphore_mem>>
      %dma_start3A_59 = arith.constant 0 : i32
      %dma_start3A_60 = tpu.memref_slice %arg8[%arg0, %add3A_49, %dma_start3A_59] : memref<2x10240x8xf32, #tpu.memory_space<hbm>> -> memref<1x128x8xf32, #tpu.memory_space<hbm>>
      %dma_start3A_61 = tpu.memref_squeeze %dma_start3A_60 : memref<1x128x8xf32, #tpu.memory_space<hbm>> -> memref<128x8xf32, #tpu.memory_space<hbm>>
      %dma_start3A_62 = arith.constant 0 : i32
      %dma_start3A_63 = tpu.memref_slice %arg16[%add3A_49, %dma_start3A_62] : memref<10240x8xf32, #tpu.memory_space<vmem_shared>> -> memref<128x8xf32, #tpu.memory_space<vmem_shared>>
      tpu.enqueue_dma source(%dma_start3A_63 : memref<128x8xf32, #tpu.memory_space<vmem_shared>>) target(%dma_start3A_61 : memref<128x8xf32, #tpu.memory_space<hbm>>) target_semaphore(%run_scoped3A_58 : memref<!tpu.dma_semaphore, #tpu.memory_space<semaphore_mem>>)
      %dma_wait3A_64 = arith.constant 0 : i32
      %dma_wait3A_65 = tpu.memref_slice %arg8[%arg0, %add3A_49, %dma_wait3A_64] : memref<2x10240x8xf32, #tpu.memory_space<hbm>> -> memref<1x128x8xf32, #tpu.memory_space<hbm>>
      %dma_wait3A_66 = tpu.memref_squeeze %dma_wait3A_65 : memref<1x128x8xf32, #tpu.memory_space<hbm>> -> memref<128x8xf32, #tpu.memory_space<hbm>>
      %dma_wait3A_67 = arith.constant 0 : i32
      %dma_wait3A_68 = tpu.memref_slice %arg16[%add3A_49, %dma_wait3A_67] : memref<10240x8xf32, #tpu.memory_space<vmem_shared>> -> memref<128x8xf32, #tpu.memory_space<vmem_shared>>
      tpu.wait_dma2 semaphore(%run_scoped3A_58 : memref<!tpu.dma_semaphore, #tpu.memory_space<semaphore_mem>>) src(%dma_wait3A_68 : memref<128x8xf32, #tpu.memory_space<vmem_shared>>) dst(%dma_wait3A_66 : memref<128x8xf32, #tpu.memory_space<hbm>>)
      tpu.yield
    }) : () -> ()
    %add3A_50 = arith.constant 128 : i32
    %add3A_51 = arith.addi %mul3A_2, %add3A_50 : i32
    "tpu.region"() ({
      %run_scoped3A_58 = tpu.sem_alloc : memref<!tpu.dma_semaphore, #tpu.memory_space<semaphore_mem>>
      %dma_start3A_59 = arith.constant 0 : i32
      %dma_start3A_60 = tpu.memref_slice %arg7[%arg0, %add3A_51, %dma_start3A_59] : memref<2x10240x64xf32, #tpu.memory_space<hbm>> -> memref<1x128x64xf32, #tpu.memory_space<hbm>>
      %dma_start3A_61 = tpu.memref_squeeze %dma_start3A_60 : memref<1x128x64xf32, #tpu.memory_space<hbm>> -> memref<128x64xf32, #tpu.memory_space<hbm>>
      %dma_start3A_62 = arith.constant 0 : i32
      %dma_start3A_63 = tpu.memref_slice %arg15[%add3A_51, %dma_start3A_62] : memref<10240x64xf32, #tpu.memory_space<vmem_shared>> -> memref<128x64xf32, #tpu.memory_space<vmem_shared>>
      tpu.enqueue_dma source(%dma_start3A_63 : memref<128x64xf32, #tpu.memory_space<vmem_shared>>) target(%dma_start3A_61 : memref<128x64xf32, #tpu.memory_space<hbm>>) target_semaphore(%run_scoped3A_58 : memref<!tpu.dma_semaphore, #tpu.memory_space<semaphore_mem>>)
      %dma_wait3A_64 = arith.constant 0 : i32
      %dma_wait3A_65 = tpu.memref_slice %arg7[%arg0, %add3A_51, %dma_wait3A_64] : memref<2x10240x64xf32, #tpu.memory_space<hbm>> -> memref<1x128x64xf32, #tpu.memory_space<hbm>>
      %dma_wait3A_66 = tpu.memref_squeeze %dma_wait3A_65 : memref<1x128x64xf32, #tpu.memory_space<hbm>> -> memref<128x64xf32, #tpu.memory_space<hbm>>
      %dma_wait3A_67 = arith.constant 0 : i32
      %dma_wait3A_68 = tpu.memref_slice %arg15[%add3A_51, %dma_wait3A_67] : memref<10240x64xf32, #tpu.memory_space<vmem_shared>> -> memref<128x64xf32, #tpu.memory_space<vmem_shared>>
      tpu.wait_dma2 semaphore(%run_scoped3A_58 : memref<!tpu.dma_semaphore, #tpu.memory_space<semaphore_mem>>) src(%dma_wait3A_68 : memref<128x64xf32, #tpu.memory_space<vmem_shared>>) dst(%dma_wait3A_66 : memref<128x64xf32, #tpu.memory_space<hbm>>)
      tpu.yield
    }) : () -> ()
    "tpu.region"() ({
      %run_scoped3A_58 = tpu.sem_alloc : memref<!tpu.dma_semaphore, #tpu.memory_space<semaphore_mem>>
      %dma_start3A_59 = arith.constant 0 : i32
      %dma_start3A_60 = tpu.memref_slice %arg8[%arg0, %add3A_51, %dma_start3A_59] : memref<2x10240x8xf32, #tpu.memory_space<hbm>> -> memref<1x128x8xf32, #tpu.memory_space<hbm>>
      %dma_start3A_61 = tpu.memref_squeeze %dma_start3A_60 : memref<1x128x8xf32, #tpu.memory_space<hbm>> -> memref<128x8xf32, #tpu.memory_space<hbm>>
      %dma_start3A_62 = arith.constant 0 : i32
      %dma_start3A_63 = tpu.memref_slice %arg16[%add3A_51, %dma_start3A_62] : memref<10240x8xf32, #tpu.memory_space<vmem_shared>> -> memref<128x8xf32, #tpu.memory_space<vmem_shared>>
      tpu.enqueue_dma source(%dma_start3A_63 : memref<128x8xf32, #tpu.memory_space<vmem_shared>>) target(%dma_start3A_61 : memref<128x8xf32, #tpu.memory_space<hbm>>) target_semaphore(%run_scoped3A_58 : memref<!tpu.dma_semaphore, #tpu.memory_space<semaphore_mem>>)
      %dma_wait3A_64 = arith.constant 0 : i32
      %dma_wait3A_65 = tpu.memref_slice %arg8[%arg0, %add3A_51, %dma_wait3A_64] : memref<2x10240x8xf32, #tpu.memory_space<hbm>> -> memref<1x128x8xf32, #tpu.memory_space<hbm>>
      %dma_wait3A_66 = tpu.memref_squeeze %dma_wait3A_65 : memref<1x128x8xf32, #tpu.memory_space<hbm>> -> memref<128x8xf32, #tpu.memory_space<hbm>>
      %dma_wait3A_67 = arith.constant 0 : i32
      %dma_wait3A_68 = tpu.memref_slice %arg16[%add3A_51, %dma_wait3A_67] : memref<10240x8xf32, #tpu.memory_space<vmem_shared>> -> memref<128x8xf32, #tpu.memory_space<vmem_shared>>
      tpu.wait_dma2 semaphore(%run_scoped3A_58 : memref<!tpu.dma_semaphore, #tpu.memory_space<semaphore_mem>>) src(%dma_wait3A_68 : memref<128x8xf32, #tpu.memory_space<vmem_shared>>) dst(%dma_wait3A_66 : memref<128x8xf32, #tpu.memory_space<hbm>>)
      tpu.yield
    }) : () -> ()
    %add3A_52 = arith.constant 256 : i32
    %add3A_53 = arith.addi %mul3A_2, %add3A_52 : i32
    "tpu.region"() ({
      %run_scoped3A_58 = tpu.sem_alloc : memref<!tpu.dma_semaphore, #tpu.memory_space<semaphore_mem>>
      %dma_start3A_59 = arith.constant 0 : i32
      %dma_start3A_60 = tpu.memref_slice %arg7[%arg0, %add3A_53, %dma_start3A_59] : memref<2x10240x64xf32, #tpu.memory_space<hbm>> -> memref<1x128x64xf32, #tpu.memory_space<hbm>>
      %dma_start3A_61 = tpu.memref_squeeze %dma_start3A_60 : memref<1x128x64xf32, #tpu.memory_space<hbm>> -> memref<128x64xf32, #tpu.memory_space<hbm>>
      %dma_start3A_62 = arith.constant 0 : i32
      %dma_start3A_63 = tpu.memref_slice %arg15[%add3A_53, %dma_start3A_62] : memref<10240x64xf32, #tpu.memory_space<vmem_shared>> -> memref<128x64xf32, #tpu.memory_space<vmem_shared>>
      tpu.enqueue_dma source(%dma_start3A_63 : memref<128x64xf32, #tpu.memory_space<vmem_shared>>) target(%dma_start3A_61 : memref<128x64xf32, #tpu.memory_space<hbm>>) target_semaphore(%run_scoped3A_58 : memref<!tpu.dma_semaphore, #tpu.memory_space<semaphore_mem>>)
      %dma_wait3A_64 = arith.constant 0 : i32
      %dma_wait3A_65 = tpu.memref_slice %arg7[%arg0, %add3A_53, %dma_wait3A_64] : memref<2x10240x64xf32, #tpu.memory_space<hbm>> -> memref<1x128x64xf32, #tpu.memory_space<hbm>>
      %dma_wait3A_66 = tpu.memref_squeeze %dma_wait3A_65 : memref<1x128x64xf32, #tpu.memory_space<hbm>> -> memref<128x64xf32, #tpu.memory_space<hbm>>
      %dma_wait3A_67 = arith.constant 0 : i32
      %dma_wait3A_68 = tpu.memref_slice %arg15[%add3A_53, %dma_wait3A_67] : memref<10240x64xf32, #tpu.memory_space<vmem_shared>> -> memref<128x64xf32, #tpu.memory_space<vmem_shared>>
      tpu.wait_dma2 semaphore(%run_scoped3A_58 : memref<!tpu.dma_semaphore, #tpu.memory_space<semaphore_mem>>) src(%dma_wait3A_68 : memref<128x64xf32, #tpu.memory_space<vmem_shared>>) dst(%dma_wait3A_66 : memref<128x64xf32, #tpu.memory_space<hbm>>)
      tpu.yield
    }) : () -> ()
    "tpu.region"() ({
      %run_scoped3A_58 = tpu.sem_alloc : memref<!tpu.dma_semaphore, #tpu.memory_space<semaphore_mem>>
      %dma_start3A_59 = arith.constant 0 : i32
      %dma_start3A_60 = tpu.memref_slice %arg8[%arg0, %add3A_53, %dma_start3A_59] : memref<2x10240x8xf32, #tpu.memory_space<hbm>> -> memref<1x128x8xf32, #tpu.memory_space<hbm>>
      %dma_start3A_61 = tpu.memref_squeeze %dma_start3A_60 : memref<1x128x8xf32, #tpu.memory_space<hbm>> -> memref<128x8xf32, #tpu.memory_space<hbm>>
      %dma_start3A_62 = arith.constant 0 : i32
      %dma_start3A_63 = tpu.memref_slice %arg16[%add3A_53, %dma_start3A_62] : memref<10240x8xf32, #tpu.memory_space<vmem_shared>> -> memref<128x8xf32, #tpu.memory_space<vmem_shared>>
      tpu.enqueue_dma source(%dma_start3A_63 : memref<128x8xf32, #tpu.memory_space<vmem_shared>>) target(%dma_start3A_61 : memref<128x8xf32, #tpu.memory_space<hbm>>) target_semaphore(%run_scoped3A_58 : memref<!tpu.dma_semaphore, #tpu.memory_space<semaphore_mem>>)
      %dma_wait3A_64 = arith.constant 0 : i32
      %dma_wait3A_65 = tpu.memref_slice %arg8[%arg0, %add3A_53, %dma_wait3A_64] : memref<2x10240x8xf32, #tpu.memory_space<hbm>> -> memref<1x128x8xf32, #tpu.memory_space<hbm>>
      %dma_wait3A_66 = tpu.memref_squeeze %dma_wait3A_65 : memref<1x128x8xf32, #tpu.memory_space<hbm>> -> memref<128x8xf32, #tpu.memory_space<hbm>>
      %dma_wait3A_67 = arith.constant 0 : i32
      %dma_wait3A_68 = tpu.memref_slice %arg16[%add3A_53, %dma_wait3A_67] : memref<10240x8xf32, #tpu.memory_space<vmem_shared>> -> memref<128x8xf32, #tpu.memory_space<vmem_shared>>
      tpu.wait_dma2 semaphore(%run_scoped3A_58 : memref<!tpu.dma_semaphore, #tpu.memory_space<semaphore_mem>>) src(%dma_wait3A_68 : memref<128x8xf32, #tpu.memory_space<vmem_shared>>) dst(%dma_wait3A_66 : memref<128x8xf32, #tpu.memory_space<hbm>>)
      tpu.yield
    }) : () -> ()
    %add3A_54 = arith.constant 384 : i32
    %add3A_55 = arith.addi %mul3A_2, %add3A_54 : i32
    "tpu.region"() ({
      %run_scoped3A_58 = tpu.sem_alloc : memref<!tpu.dma_semaphore, #tpu.memory_space<semaphore_mem>>
      %dma_start3A_59 = arith.constant 0 : i32
      %dma_start3A_60 = tpu.memref_slice %arg7[%arg0, %add3A_55, %dma_start3A_59] : memref<2x10240x64xf32, #tpu.memory_space<hbm>> -> memref<1x128x64xf32, #tpu.memory_space<hbm>>
      %dma_start3A_61 = tpu.memref_squeeze %dma_start3A_60 : memref<1x128x64xf32, #tpu.memory_space<hbm>> -> memref<128x64xf32, #tpu.memory_space<hbm>>
      %dma_start3A_62 = arith.constant 0 : i32
      %dma_start3A_63 = tpu.memref_slice %arg15[%add3A_55, %dma_start3A_62] : memref<10240x64xf32, #tpu.memory_space<vmem_shared>> -> memref<128x64xf32, #tpu.memory_space<vmem_shared>>
      tpu.enqueue_dma source(%dma_start3A_63 : memref<128x64xf32, #tpu.memory_space<vmem_shared>>) target(%dma_start3A_61 : memref<128x64xf32, #tpu.memory_space<hbm>>) target_semaphore(%run_scoped3A_58 : memref<!tpu.dma_semaphore, #tpu.memory_space<semaphore_mem>>)
      %dma_wait3A_64 = arith.constant 0 : i32
      %dma_wait3A_65 = tpu.memref_slice %arg7[%arg0, %add3A_55, %dma_wait3A_64] : memref<2x10240x64xf32, #tpu.memory_space<hbm>> -> memref<1x128x64xf32, #tpu.memory_space<hbm>>
      %dma_wait3A_66 = tpu.memref_squeeze %dma_wait3A_65 : memref<1x128x64xf32, #tpu.memory_space<hbm>> -> memref<128x64xf32, #tpu.memory_space<hbm>>
      %dma_wait3A_67 = arith.constant 0 : i32
      %dma_wait3A_68 = tpu.memref_slice %arg15[%add3A_55, %dma_wait3A_67] : memref<10240x64xf32, #tpu.memory_space<vmem_shared>> -> memref<128x64xf32, #tpu.memory_space<vmem_shared>>
      tpu.wait_dma2 semaphore(%run_scoped3A_58 : memref<!tpu.dma_semaphore, #tpu.memory_space<semaphore_mem>>) src(%dma_wait3A_68 : memref<128x64xf32, #tpu.memory_space<vmem_shared>>) dst(%dma_wait3A_66 : memref<128x64xf32, #tpu.memory_space<hbm>>)
      tpu.yield
    }) : () -> ()
    "tpu.region"() ({
      %run_scoped3A_58 = tpu.sem_alloc : memref<!tpu.dma_semaphore, #tpu.memory_space<semaphore_mem>>
      %dma_start3A_59 = arith.constant 0 : i32
      %dma_start3A_60 = tpu.memref_slice %arg8[%arg0, %add3A_55, %dma_start3A_59] : memref<2x10240x8xf32, #tpu.memory_space<hbm>> -> memref<1x128x8xf32, #tpu.memory_space<hbm>>
      %dma_start3A_61 = tpu.memref_squeeze %dma_start3A_60 : memref<1x128x8xf32, #tpu.memory_space<hbm>> -> memref<128x8xf32, #tpu.memory_space<hbm>>
      %dma_start3A_62 = arith.constant 0 : i32
      %dma_start3A_63 = tpu.memref_slice %arg16[%add3A_55, %dma_start3A_62] : memref<10240x8xf32, #tpu.memory_space<vmem_shared>> -> memref<128x8xf32, #tpu.memory_space<vmem_shared>>
      tpu.enqueue_dma source(%dma_start3A_63 : memref<128x8xf32, #tpu.memory_space<vmem_shared>>) target(%dma_start3A_61 : memref<128x8xf32, #tpu.memory_space<hbm>>) target_semaphore(%run_scoped3A_58 : memref<!tpu.dma_semaphore, #tpu.memory_space<semaphore_mem>>)
      %dma_wait3A_64 = arith.constant 0 : i32
      %dma_wait3A_65 = tpu.memref_slice %arg8[%arg0, %add3A_55, %dma_wait3A_64] : memref<2x10240x8xf32, #tpu.memory_space<hbm>> -> memref<1x128x8xf32, #tpu.memory_space<hbm>>
      %dma_wait3A_66 = tpu.memref_squeeze %dma_wait3A_65 : memref<1x128x8xf32, #tpu.memory_space<hbm>> -> memref<128x8xf32, #tpu.memory_space<hbm>>
      %dma_wait3A_67 = arith.constant 0 : i32
      %dma_wait3A_68 = tpu.memref_slice %arg16[%add3A_55, %dma_wait3A_67] : memref<10240x8xf32, #tpu.memory_space<vmem_shared>> -> memref<128x8xf32, #tpu.memory_space<vmem_shared>>
      tpu.wait_dma2 semaphore(%run_scoped3A_58 : memref<!tpu.dma_semaphore, #tpu.memory_space<semaphore_mem>>) src(%dma_wait3A_68 : memref<128x8xf32, #tpu.memory_space<vmem_shared>>) dst(%dma_wait3A_66 : memref<128x8xf32, #tpu.memory_space<hbm>>)
      tpu.yield
    }) : () -> ()
    %add3A_56 = arith.constant 512 : i32
    %add3A_57 = arith.addi %mul3A_2, %add3A_56 : i32
    "tpu.region"() ({
      %run_scoped3A_58 = tpu.sem_alloc : memref<!tpu.dma_semaphore, #tpu.memory_space<semaphore_mem>>
      %dma_start3A_59 = arith.constant 0 : i32
      %dma_start3A_60 = tpu.memref_slice %arg7[%arg0, %add3A_57, %dma_start3A_59] : memref<2x10240x64xf32, #tpu.memory_space<hbm>> -> memref<1x128x64xf32, #tpu.memory_space<hbm>>
      %dma_start3A_61 = tpu.memref_squeeze %dma_start3A_60 : memref<1x128x64xf32, #tpu.memory_space<hbm>> -> memref<128x64xf32, #tpu.memory_space<hbm>>
      %dma_start3A_62 = arith.constant 0 : i32
      %dma_start3A_63 = tpu.memref_slice %arg15[%add3A_57, %dma_start3A_62] : memref<10240x64xf32, #tpu.memory_space<vmem_shared>> -> memref<128x64xf32, #tpu.memory_space<vmem_shared>>
      tpu.enqueue_dma source(%dma_start3A_63 : memref<128x64xf32, #tpu.memory_space<vmem_shared>>) target(%dma_start3A_61 : memref<128x64xf32, #tpu.memory_space<hbm>>) target_semaphore(%run_scoped3A_58 : memref<!tpu.dma_semaphore, #tpu.memory_space<semaphore_mem>>)
      %dma_wait3A_64 = arith.constant 0 : i32
      %dma_wait3A_65 = tpu.memref_slice %arg7[%arg0, %add3A_57, %dma_wait3A_64] : memref<2x10240x64xf32, #tpu.memory_space<hbm>> -> memref<1x128x64xf32, #tpu.memory_space<hbm>>
      %dma_wait3A_66 = tpu.memref_squeeze %dma_wait3A_65 : memref<1x128x64xf32, #tpu.memory_space<hbm>> -> memref<128x64xf32, #tpu.memory_space<hbm>>
      %dma_wait3A_67 = arith.constant 0 : i32
      %dma_wait3A_68 = tpu.memref_slice %arg15[%add3A_57, %dma_wait3A_67] : memref<10240x64xf32, #tpu.memory_space<vmem_shared>> -> memref<128x64xf32, #tpu.memory_space<vmem_shared>>
      tpu.wait_dma2 semaphore(%run_scoped3A_58 : memref<!tpu.dma_semaphore, #tpu.memory_space<semaphore_mem>>) src(%dma_wait3A_68 : memref<128x64xf32, #tpu.memory_space<vmem_shared>>) dst(%dma_wait3A_66 : memref<128x64xf32, #tpu.memory_space<hbm>>)
      tpu.yield
    }) : () -> ()
    "tpu.region"() ({
      %run_scoped3A_58 = tpu.sem_alloc : memref<!tpu.dma_semaphore, #tpu.memory_space<semaphore_mem>>
      %dma_start3A_59 = arith.constant 0 : i32
      %dma_start3A_60 = tpu.memref_slice %arg8[%arg0, %add3A_57, %dma_start3A_59] : memref<2x10240x8xf32, #tpu.memory_space<hbm>> -> memref<1x128x8xf32, #tpu.memory_space<hbm>>
      %dma_start3A_61 = tpu.memref_squeeze %dma_start3A_60 : memref<1x128x8xf32, #tpu.memory_space<hbm>> -> memref<128x8xf32, #tpu.memory_space<hbm>>
      %dma_start3A_62 = arith.constant 0 : i32
      %dma_start3A_63 = tpu.memref_slice %arg16[%add3A_57, %dma_start3A_62] : memref<10240x8xf32, #tpu.memory_space<vmem_shared>> -> memref<128x8xf32, #tpu.memory_space<vmem_shared>>
      tpu.enqueue_dma source(%dma_start3A_63 : memref<128x8xf32, #tpu.memory_space<vmem_shared>>) target(%dma_start3A_61 : memref<128x8xf32, #tpu.memory_space<hbm>>) target_semaphore(%run_scoped3A_58 : memref<!tpu.dma_semaphore, #tpu.memory_space<semaphore_mem>>)
      %dma_wait3A_64 = arith.constant 0 : i32
      %dma_wait3A_65 = tpu.memref_slice %arg8[%arg0, %add3A_57, %dma_wait3A_64] : memref<2x10240x8xf32, #tpu.memory_space<hbm>> -> memref<1x128x8xf32, #tpu.memory_space<hbm>>
      %dma_wait3A_66 = tpu.memref_squeeze %dma_wait3A_65 : memref<1x128x8xf32, #tpu.memory_space<hbm>> -> memref<128x8xf32, #tpu.memory_space<hbm>>
      %dma_wait3A_67 = arith.constant 0 : i32
      %dma_wait3A_68 = tpu.memref_slice %arg16[%add3A_57, %dma_wait3A_67] : memref<10240x8xf32, #tpu.memory_space<vmem_shared>> -> memref<128x8xf32, #tpu.memory_space<vmem_shared>>
      tpu.wait_dma2 semaphore(%run_scoped3A_58 : memref<!tpu.dma_semaphore, #tpu.memory_space<semaphore_mem>>) src(%dma_wait3A_68 : memref<128x8xf32, #tpu.memory_space<vmem_shared>>) dst(%dma_wait3A_66 : memref<128x8xf32, #tpu.memory_space<hbm>>)
      tpu.yield
    }) : () -> ()
    return
  }
}

#map = affine_map<(d0, d1) -> (0, 0)>
#map1 = affine_map<(d0, d1) -> (0, 0, 0)>
module attributes {stable_mosaic.version = 14 : i64} {
  func.func @body(%arg0: i32, %arg1: i32, %arg2: memref<20480x64xf32, #tpu.memory_space<hbm>>, %arg3: memref<32x158x128xi32, #tpu.memory_space<hbm>>, %arg4: memref<32x158x128xi32, #tpu.memory_space<hbm>>, %arg5: memref<128x64xf32, #tpu.memory_space<hbm>>, %arg6: memref<256x8xf32, #tpu.memory_space<hbm>>, %arg7: memref<2x10240x64xf32, #tpu.memory_space<hbm>>, %arg8: memref<158x128xi32, #tpu.memory_space<vmem>>, %arg9: memref<158x128xi32, #tpu.memory_space<vmem>>, %arg10: memref<128x64xf32, #tpu.memory_space<vmem>>, %arg11: memref<128x64xf32, #tpu.memory_space<vmem>>, %arg12: memref<128x64xf32, #tpu.memory_space<vmem>>, %arg13: memref<256x8xf32, #tpu.memory_space<vmem>>, %arg14: memref<10240x64xf32, #tpu.memory_space<vmem_shared>>, %arg15: memref<10240x8xf32, #tpu.memory_space<vmem_shared>>, %arg16: memref<!tpu.dma_semaphore, #tpu.memory_space<semaphore_mem>>, %arg17: memref<!tpu.dma_semaphore, #tpu.memory_space<semaphore_mem>>) attributes {dimension_semantics = [#tpu.dimension_semantics<core_parallel>, #tpu.dimension_semantics<subcore_parallel>], iteration_bounds = array<i64: 2, 16>, scalar_prefetch = 0 : i64, scratch_operands = 10 : i64, tpu.core_type = #tpu.core_type<sc_vector_subcore>, window_params = [{transform_indices = #map}, {transform_indices = #map1}, {transform_indices = #map1}, {transform_indices = #map}, {transform_indices = #map}, {transform_indices = #map1}]} {
    %mul3A = arith.constant 16 : i32
    %mul3A_0 = arith.muli %arg0, %mul3A : i32
    %add3A = arith.addi %mul3A_0, %arg1 : i32
    "tpu.region"() ({
      %run_scoped3A_56 = tpu.sem_alloc : memref<!tpu.dma_semaphore, #tpu.memory_space<semaphore_mem>>
      %dma_start3A_57 = arith.constant 0 : i32
      %dma_start3A_58 = arith.constant 0 : i32
      %dma_start3A_59 = tpu.memref_slice %arg3[%add3A, %dma_start3A_57, %dma_start3A_58] : memref<32x158x128xi32, #tpu.memory_space<hbm>> -> memref<1x158x128xi32, #tpu.memory_space<hbm>>
      %dma_start3A_60 = tpu.memref_squeeze %dma_start3A_59 : memref<1x158x128xi32, #tpu.memory_space<hbm>> -> memref<158x128xi32, #tpu.memory_space<hbm>>
      %dma_start3A_61 = arith.constant 0 : i32
      %dma_start3A_62 = arith.constant 0 : i32
      %dma_start3A_63 = tpu.memref_slice %arg3[%add3A, %dma_start3A_61, %dma_start3A_62] : memref<32x158x128xi32, #tpu.memory_space<hbm>> -> memref<1x158x128xi32, #tpu.memory_space<hbm>>
      %dma_start3A_64 = tpu.memref_squeeze %dma_start3A_63 : memref<1x158x128xi32, #tpu.memory_space<hbm>> -> memref<158x128xi32, #tpu.memory_space<hbm>>
      tpu.enqueue_dma source(%dma_start3A_64 : memref<158x128xi32, #tpu.memory_space<hbm>>) target(%arg8 : memref<158x128xi32, #tpu.memory_space<vmem>>) target_semaphore(%run_scoped3A_56 : memref<!tpu.dma_semaphore, #tpu.memory_space<semaphore_mem>>)
      %dma_wait3A_65 = arith.constant 0 : i32
      %dma_wait3A_66 = arith.constant 0 : i32
      %dma_wait3A_67 = tpu.memref_slice %arg3[%add3A, %dma_wait3A_65, %dma_wait3A_66] : memref<32x158x128xi32, #tpu.memory_space<hbm>> -> memref<1x158x128xi32, #tpu.memory_space<hbm>>
      %dma_wait3A_68 = tpu.memref_squeeze %dma_wait3A_67 : memref<1x158x128xi32, #tpu.memory_space<hbm>> -> memref<158x128xi32, #tpu.memory_space<hbm>>
      %dma_wait3A_69 = arith.constant 0 : i32
      %dma_wait3A_70 = arith.constant 0 : i32
      %dma_wait3A_71 = tpu.memref_slice %arg3[%add3A, %dma_wait3A_69, %dma_wait3A_70] : memref<32x158x128xi32, #tpu.memory_space<hbm>> -> memref<1x158x128xi32, #tpu.memory_space<hbm>>
      %dma_wait3A_72 = tpu.memref_squeeze %dma_wait3A_71 : memref<1x158x128xi32, #tpu.memory_space<hbm>> -> memref<158x128xi32, #tpu.memory_space<hbm>>
      tpu.wait_dma2 semaphore(%run_scoped3A_56 : memref<!tpu.dma_semaphore, #tpu.memory_space<semaphore_mem>>) src(%dma_wait3A_72 : memref<158x128xi32, #tpu.memory_space<hbm>>) dst(%arg8 : memref<158x128xi32, #tpu.memory_space<vmem>>)
      tpu.yield
    }) : () -> ()
    "tpu.region"() ({
      %run_scoped3A_56 = tpu.sem_alloc : memref<!tpu.dma_semaphore, #tpu.memory_space<semaphore_mem>>
      %dma_start3A_57 = arith.constant 0 : i32
      %dma_start3A_58 = arith.constant 0 : i32
      %dma_start3A_59 = tpu.memref_slice %arg4[%add3A, %dma_start3A_57, %dma_start3A_58] : memref<32x158x128xi32, #tpu.memory_space<hbm>> -> memref<1x158x128xi32, #tpu.memory_space<hbm>>
      %dma_start3A_60 = tpu.memref_squeeze %dma_start3A_59 : memref<1x158x128xi32, #tpu.memory_space<hbm>> -> memref<158x128xi32, #tpu.memory_space<hbm>>
      %dma_start3A_61 = arith.constant 0 : i32
      %dma_start3A_62 = arith.constant 0 : i32
      %dma_start3A_63 = tpu.memref_slice %arg4[%add3A, %dma_start3A_61, %dma_start3A_62] : memref<32x158x128xi32, #tpu.memory_space<hbm>> -> memref<1x158x128xi32, #tpu.memory_space<hbm>>
      %dma_start3A_64 = tpu.memref_squeeze %dma_start3A_63 : memref<1x158x128xi32, #tpu.memory_space<hbm>> -> memref<158x128xi32, #tpu.memory_space<hbm>>
      tpu.enqueue_dma source(%dma_start3A_64 : memref<158x128xi32, #tpu.memory_space<hbm>>) target(%arg9 : memref<158x128xi32, #tpu.memory_space<vmem>>) target_semaphore(%run_scoped3A_56 : memref<!tpu.dma_semaphore, #tpu.memory_space<semaphore_mem>>)
      %dma_wait3A_65 = arith.constant 0 : i32
      %dma_wait3A_66 = arith.constant 0 : i32
      %dma_wait3A_67 = tpu.memref_slice %arg4[%add3A, %dma_wait3A_65, %dma_wait3A_66] : memref<32x158x128xi32, #tpu.memory_space<hbm>> -> memref<1x158x128xi32, #tpu.memory_space<hbm>>
      %dma_wait3A_68 = tpu.memref_squeeze %dma_wait3A_67 : memref<1x158x128xi32, #tpu.memory_space<hbm>> -> memref<158x128xi32, #tpu.memory_space<hbm>>
      %dma_wait3A_69 = arith.constant 0 : i32
      %dma_wait3A_70 = arith.constant 0 : i32
      %dma_wait3A_71 = tpu.memref_slice %arg4[%add3A, %dma_wait3A_69, %dma_wait3A_70] : memref<32x158x128xi32, #tpu.memory_space<hbm>> -> memref<1x158x128xi32, #tpu.memory_space<hbm>>
      %dma_wait3A_72 = tpu.memref_squeeze %dma_wait3A_71 : memref<1x158x128xi32, #tpu.memory_space<hbm>> -> memref<158x128xi32, #tpu.memory_space<hbm>>
      tpu.wait_dma2 semaphore(%run_scoped3A_56 : memref<!tpu.dma_semaphore, #tpu.memory_space<semaphore_mem>>) src(%dma_wait3A_72 : memref<158x128xi32, #tpu.memory_space<hbm>>) dst(%arg9 : memref<158x128xi32, #tpu.memory_space<vmem>>)
      tpu.yield
    }) : () -> ()
    "tpu.region"() ({
      %run_scoped3A_56 = tpu.sem_alloc : memref<!tpu.dma_semaphore, #tpu.memory_space<semaphore_mem>>
      tpu.enqueue_dma source(%arg5 : memref<128x64xf32, #tpu.memory_space<hbm>>) target(%arg12 : memref<128x64xf32, #tpu.memory_space<vmem>>) target_semaphore(%run_scoped3A_56 : memref<!tpu.dma_semaphore, #tpu.memory_space<semaphore_mem>>)
      tpu.wait_dma2 semaphore(%run_scoped3A_56 : memref<!tpu.dma_semaphore, #tpu.memory_space<semaphore_mem>>) src(%arg5 : memref<128x64xf32, #tpu.memory_space<hbm>>) dst(%arg12 : memref<128x64xf32, #tpu.memory_space<vmem>>)
      tpu.yield
    }) : () -> ()
    "tpu.region"() ({
      %run_scoped3A_56 = tpu.sem_alloc : memref<!tpu.dma_semaphore, #tpu.memory_space<semaphore_mem>>
      tpu.enqueue_dma source(%arg6 : memref<256x8xf32, #tpu.memory_space<hbm>>) target(%arg13 : memref<256x8xf32, #tpu.memory_space<vmem>>) target_semaphore(%run_scoped3A_56 : memref<!tpu.dma_semaphore, #tpu.memory_space<semaphore_mem>>)
      tpu.wait_dma2 semaphore(%run_scoped3A_56 : memref<!tpu.dma_semaphore, #tpu.memory_space<semaphore_mem>>) src(%arg6 : memref<256x8xf32, #tpu.memory_space<hbm>>) dst(%arg13 : memref<256x8xf32, #tpu.memory_space<vmem>>)
      tpu.yield
    }) : () -> ()
    %mul3A_1 = arith.constant 640 : i32
    %mul3A_2 = arith.muli %arg1, %mul3A_1 : i32
    %add3A_3 = arith.constant 0 : i32
    %add3A_4 = arith.addi %mul3A_2, %add3A_3 : i32
    "tpu.region"() ({
      %run_scoped3A_56 = tpu.sem_alloc : memref<!tpu.dma_semaphore, #tpu.memory_space<semaphore_mem>>
      %dma_start3A_57 = arith.constant 0 : i32
      %dma_start3A_58 = tpu.memref_slice %arg14[%add3A_4, %dma_start3A_57] : memref<10240x64xf32, #tpu.memory_space<vmem_shared>> -> memref<128x64xf32, #tpu.memory_space<vmem_shared>>
      %dma_start3A_59 = arith.constant 0 : i32
      %dma_start3A_60 = tpu.memref_slice %arg14[%add3A_4, %dma_start3A_59] : memref<10240x64xf32, #tpu.memory_space<vmem_shared>> -> memref<128x64xf32, #tpu.memory_space<vmem_shared>>
      tpu.enqueue_dma source(%arg12 : memref<128x64xf32, #tpu.memory_space<vmem>>) target(%dma_start3A_60 : memref<128x64xf32, #tpu.memory_space<vmem_shared>>) target_semaphore(%run_scoped3A_56 : memref<!tpu.dma_semaphore, #tpu.memory_space<semaphore_mem>>)
      %dma_wait3A_61 = arith.constant 0 : i32
      %dma_wait3A_62 = tpu.memref_slice %arg14[%add3A_4, %dma_wait3A_61] : memref<10240x64xf32, #tpu.memory_space<vmem_shared>> -> memref<128x64xf32, #tpu.memory_space<vmem_shared>>
      %dma_wait3A_63 = arith.constant 0 : i32
      %dma_wait3A_64 = tpu.memref_slice %arg14[%add3A_4, %dma_wait3A_63] : memref<10240x64xf32, #tpu.memory_space<vmem_shared>> -> memref<128x64xf32, #tpu.memory_space<vmem_shared>>
      tpu.wait_dma2 semaphore(%run_scoped3A_56 : memref<!tpu.dma_semaphore, #tpu.memory_space<semaphore_mem>>) src(%arg12 : memref<128x64xf32, #tpu.memory_space<vmem>>) dst(%dma_wait3A_64 : memref<128x64xf32, #tpu.memory_space<vmem_shared>>)
      tpu.yield
    }) : () -> ()
    %add3A_5 = arith.constant 128 : i32
    %add3A_6 = arith.addi %mul3A_2, %add3A_5 : i32
    "tpu.region"() ({
      %run_scoped3A_56 = tpu.sem_alloc : memref<!tpu.dma_semaphore, #tpu.memory_space<semaphore_mem>>
      %dma_start3A_57 = arith.constant 0 : i32
      %dma_start3A_58 = tpu.memref_slice %arg14[%add3A_6, %dma_start3A_57] : memref<10240x64xf32, #tpu.memory_space<vmem_shared>> -> memref<128x64xf32, #tpu.memory_space<vmem_shared>>
      %dma_start3A_59 = arith.constant 0 : i32
      %dma_start3A_60 = tpu.memref_slice %arg14[%add3A_6, %dma_start3A_59] : memref<10240x64xf32, #tpu.memory_space<vmem_shared>> -> memref<128x64xf32, #tpu.memory_space<vmem_shared>>
      tpu.enqueue_dma source(%arg12 : memref<128x64xf32, #tpu.memory_space<vmem>>) target(%dma_start3A_60 : memref<128x64xf32, #tpu.memory_space<vmem_shared>>) target_semaphore(%run_scoped3A_56 : memref<!tpu.dma_semaphore, #tpu.memory_space<semaphore_mem>>)
      %dma_wait3A_61 = arith.constant 0 : i32
      %dma_wait3A_62 = tpu.memref_slice %arg14[%add3A_6, %dma_wait3A_61] : memref<10240x64xf32, #tpu.memory_space<vmem_shared>> -> memref<128x64xf32, #tpu.memory_space<vmem_shared>>
      %dma_wait3A_63 = arith.constant 0 : i32
      %dma_wait3A_64 = tpu.memref_slice %arg14[%add3A_6, %dma_wait3A_63] : memref<10240x64xf32, #tpu.memory_space<vmem_shared>> -> memref<128x64xf32, #tpu.memory_space<vmem_shared>>
      tpu.wait_dma2 semaphore(%run_scoped3A_56 : memref<!tpu.dma_semaphore, #tpu.memory_space<semaphore_mem>>) src(%arg12 : memref<128x64xf32, #tpu.memory_space<vmem>>) dst(%dma_wait3A_64 : memref<128x64xf32, #tpu.memory_space<vmem_shared>>)
      tpu.yield
    }) : () -> ()
    %add3A_7 = arith.constant 256 : i32
    %add3A_8 = arith.addi %mul3A_2, %add3A_7 : i32
    "tpu.region"() ({
      %run_scoped3A_56 = tpu.sem_alloc : memref<!tpu.dma_semaphore, #tpu.memory_space<semaphore_mem>>
      %dma_start3A_57 = arith.constant 0 : i32
      %dma_start3A_58 = tpu.memref_slice %arg14[%add3A_8, %dma_start3A_57] : memref<10240x64xf32, #tpu.memory_space<vmem_shared>> -> memref<128x64xf32, #tpu.memory_space<vmem_shared>>
      %dma_start3A_59 = arith.constant 0 : i32
      %dma_start3A_60 = tpu.memref_slice %arg14[%add3A_8, %dma_start3A_59] : memref<10240x64xf32, #tpu.memory_space<vmem_shared>> -> memref<128x64xf32, #tpu.memory_space<vmem_shared>>
      tpu.enqueue_dma source(%arg12 : memref<128x64xf32, #tpu.memory_space<vmem>>) target(%dma_start3A_60 : memref<128x64xf32, #tpu.memory_space<vmem_shared>>) target_semaphore(%run_scoped3A_56 : memref<!tpu.dma_semaphore, #tpu.memory_space<semaphore_mem>>)
      %dma_wait3A_61 = arith.constant 0 : i32
      %dma_wait3A_62 = tpu.memref_slice %arg14[%add3A_8, %dma_wait3A_61] : memref<10240x64xf32, #tpu.memory_space<vmem_shared>> -> memref<128x64xf32, #tpu.memory_space<vmem_shared>>
      %dma_wait3A_63 = arith.constant 0 : i32
      %dma_wait3A_64 = tpu.memref_slice %arg14[%add3A_8, %dma_wait3A_63] : memref<10240x64xf32, #tpu.memory_space<vmem_shared>> -> memref<128x64xf32, #tpu.memory_space<vmem_shared>>
      tpu.wait_dma2 semaphore(%run_scoped3A_56 : memref<!tpu.dma_semaphore, #tpu.memory_space<semaphore_mem>>) src(%arg12 : memref<128x64xf32, #tpu.memory_space<vmem>>) dst(%dma_wait3A_64 : memref<128x64xf32, #tpu.memory_space<vmem_shared>>)
      tpu.yield
    }) : () -> ()
    %add3A_9 = arith.constant 384 : i32
    %add3A_10 = arith.addi %mul3A_2, %add3A_9 : i32
    "tpu.region"() ({
      %run_scoped3A_56 = tpu.sem_alloc : memref<!tpu.dma_semaphore, #tpu.memory_space<semaphore_mem>>
      %dma_start3A_57 = arith.constant 0 : i32
      %dma_start3A_58 = tpu.memref_slice %arg14[%add3A_10, %dma_start3A_57] : memref<10240x64xf32, #tpu.memory_space<vmem_shared>> -> memref<128x64xf32, #tpu.memory_space<vmem_shared>>
      %dma_start3A_59 = arith.constant 0 : i32
      %dma_start3A_60 = tpu.memref_slice %arg14[%add3A_10, %dma_start3A_59] : memref<10240x64xf32, #tpu.memory_space<vmem_shared>> -> memref<128x64xf32, #tpu.memory_space<vmem_shared>>
      tpu.enqueue_dma source(%arg12 : memref<128x64xf32, #tpu.memory_space<vmem>>) target(%dma_start3A_60 : memref<128x64xf32, #tpu.memory_space<vmem_shared>>) target_semaphore(%run_scoped3A_56 : memref<!tpu.dma_semaphore, #tpu.memory_space<semaphore_mem>>)
      %dma_wait3A_61 = arith.constant 0 : i32
      %dma_wait3A_62 = tpu.memref_slice %arg14[%add3A_10, %dma_wait3A_61] : memref<10240x64xf32, #tpu.memory_space<vmem_shared>> -> memref<128x64xf32, #tpu.memory_space<vmem_shared>>
      %dma_wait3A_63 = arith.constant 0 : i32
      %dma_wait3A_64 = tpu.memref_slice %arg14[%add3A_10, %dma_wait3A_63] : memref<10240x64xf32, #tpu.memory_space<vmem_shared>> -> memref<128x64xf32, #tpu.memory_space<vmem_shared>>
      tpu.wait_dma2 semaphore(%run_scoped3A_56 : memref<!tpu.dma_semaphore, #tpu.memory_space<semaphore_mem>>) src(%arg12 : memref<128x64xf32, #tpu.memory_space<vmem>>) dst(%dma_wait3A_64 : memref<128x64xf32, #tpu.memory_space<vmem_shared>>)
      tpu.yield
    }) : () -> ()
    %add3A_11 = arith.constant 512 : i32
    %add3A_12 = arith.addi %mul3A_2, %add3A_11 : i32
    "tpu.region"() ({
      %run_scoped3A_56 = tpu.sem_alloc : memref<!tpu.dma_semaphore, #tpu.memory_space<semaphore_mem>>
      %dma_start3A_57 = arith.constant 0 : i32
      %dma_start3A_58 = tpu.memref_slice %arg14[%add3A_12, %dma_start3A_57] : memref<10240x64xf32, #tpu.memory_space<vmem_shared>> -> memref<128x64xf32, #tpu.memory_space<vmem_shared>>
      %dma_start3A_59 = arith.constant 0 : i32
      %dma_start3A_60 = tpu.memref_slice %arg14[%add3A_12, %dma_start3A_59] : memref<10240x64xf32, #tpu.memory_space<vmem_shared>> -> memref<128x64xf32, #tpu.memory_space<vmem_shared>>
      tpu.enqueue_dma source(%arg12 : memref<128x64xf32, #tpu.memory_space<vmem>>) target(%dma_start3A_60 : memref<128x64xf32, #tpu.memory_space<vmem_shared>>) target_semaphore(%run_scoped3A_56 : memref<!tpu.dma_semaphore, #tpu.memory_space<semaphore_mem>>)
      %dma_wait3A_61 = arith.constant 0 : i32
      %dma_wait3A_62 = tpu.memref_slice %arg14[%add3A_12, %dma_wait3A_61] : memref<10240x64xf32, #tpu.memory_space<vmem_shared>> -> memref<128x64xf32, #tpu.memory_space<vmem_shared>>
      %dma_wait3A_63 = arith.constant 0 : i32
      %dma_wait3A_64 = tpu.memref_slice %arg14[%add3A_12, %dma_wait3A_63] : memref<10240x64xf32, #tpu.memory_space<vmem_shared>> -> memref<128x64xf32, #tpu.memory_space<vmem_shared>>
      tpu.wait_dma2 semaphore(%run_scoped3A_56 : memref<!tpu.dma_semaphore, #tpu.memory_space<semaphore_mem>>) src(%arg12 : memref<128x64xf32, #tpu.memory_space<vmem>>) dst(%dma_wait3A_64 : memref<128x64xf32, #tpu.memory_space<vmem_shared>>)
      tpu.yield
    }) : () -> ()
    %barrier3A = arith.constant 0 : index
    tpu.barrier barrier_id(%barrier3A)
    %dma_start3A = arith.constant 0 : i32
    %dma_start3A_13 = arith.constant 0 : i32
    %dma_start3A_14 = tpu.memref_slice %arg8[%dma_start3A, %dma_start3A_13] : memref<158x128xi32, #tpu.memory_space<vmem>> -> memref<1x128xi32, #tpu.memory_space<vmem>>
    %dma_start3A_15 = tpu.memref_squeeze %dma_start3A_14 : memref<1x128xi32, #tpu.memory_space<vmem>> -> memref<128xi32, #tpu.memory_space<vmem>>
    %dma_start3A_16 = arith.constant 0 : i32
    %dma_start3A_17 = arith.constant 0 : i32
    %dma_start3A_18 = tpu.memref_slice %arg2[%dma_start3A_16, %dma_start3A_17] : memref<20480x64xf32, #tpu.memory_space<hbm>> -> memref<20480x64xf32, #tpu.memory_space<hbm>>
    tpu.enqueue_indirect_dma source(%dma_start3A_18 : memref<20480x64xf32, #tpu.memory_space<hbm>>) target(%arg10 : memref<128x64xf32, #tpu.memory_space<vmem>>) offsets(%dma_start3A_15 : memref<128xi32, #tpu.memory_space<vmem>>) semaphore(%arg16 : memref<!tpu.dma_semaphore, #tpu.memory_space<semaphore_mem>>)
    %dma_start3A_19 = arith.constant 1 : i32
    %dma_start3A_20 = arith.constant 0 : i32
    %dma_start3A_21 = tpu.memref_slice %arg8[%dma_start3A_19, %dma_start3A_20] : memref<158x128xi32, #tpu.memory_space<vmem>> -> memref<1x128xi32, #tpu.memory_space<vmem>>
    %dma_start3A_22 = tpu.memref_squeeze %dma_start3A_21 : memref<1x128xi32, #tpu.memory_space<vmem>> -> memref<128xi32, #tpu.memory_space<vmem>>
    %dma_start3A_23 = arith.constant 0 : i32
    %dma_start3A_24 = arith.constant 0 : i32
    %dma_start3A_25 = tpu.memref_slice %arg2[%dma_start3A_23, %dma_start3A_24] : memref<20480x64xf32, #tpu.memory_space<hbm>> -> memref<20480x64xf32, #tpu.memory_space<hbm>>
    tpu.enqueue_indirect_dma source(%dma_start3A_25 : memref<20480x64xf32, #tpu.memory_space<hbm>>) target(%arg11 : memref<128x64xf32, #tpu.memory_space<vmem>>) offsets(%dma_start3A_22 : memref<128xi32, #tpu.memory_space<vmem>>) semaphore(%arg17 : memref<!tpu.dma_semaphore, #tpu.memory_space<semaphore_mem>>)
    %scan3A = arith.constant 0 : i32
    %scan3A_26 = arith.constant 0 : i32
    %scan3A_27 = arith.constant 78 : i32
    %scan3A_28 = arith.addi %scan3A_26, %scan3A_27 : i32
    %scan3A_29 = arith.constant 1 : i32
    scf.for %scan3A_56 = %scan3A_26 to %scan3A_28 step %scan3A_29  : i32 {
      %mul3A_57 = arith.constant 2 : i32
      %mul3A_58 = arith.muli %mul3A_57, %scan3A_56 : i32
      %add3A_59 = arith.constant 0 : i32
      %add3A_60 = arith.addi %mul3A_58, %add3A_59 : i32
      %dma_wait3A_61 = arith.constant 0 : i32
      %dma_wait3A_62 = tpu.memref_slice %arg8[%add3A_60, %dma_wait3A_61] : memref<158x128xi32, #tpu.memory_space<vmem>> -> memref<1x128xi32, #tpu.memory_space<vmem>>
      %dma_wait3A_63 = tpu.memref_squeeze %dma_wait3A_62 : memref<1x128xi32, #tpu.memory_space<vmem>> -> memref<128xi32, #tpu.memory_space<vmem>>
      %dma_wait3A_64 = arith.constant 0 : i32
      %dma_wait3A_65 = arith.constant 0 : i32
      %dma_wait3A_66 = tpu.memref_slice %arg2[%dma_wait3A_64, %dma_wait3A_65] : memref<20480x64xf32, #tpu.memory_space<hbm>> -> memref<20480x64xf32, #tpu.memory_space<hbm>>
      tpu.wait_indirect_dma semaphore(%arg16 : memref<!tpu.dma_semaphore, #tpu.memory_space<semaphore_mem>>) src(%dma_wait3A_66 : memref<20480x64xf32, #tpu.memory_space<hbm>>) dst(%arg10 : memref<128x64xf32, #tpu.memory_space<vmem>>)
      "tpu.region"() ({
        %run_scoped3A_93 = tpu.sem_alloc : memref<!tpu.dma_semaphore, #tpu.memory_space<semaphore_mem>>
        %dma_start3A_94 = arith.constant 0 : i32
        %dma_start3A_95 = tpu.memref_slice %arg9[%add3A_60, %dma_start3A_94] : memref<158x128xi32, #tpu.memory_space<vmem>> -> memref<1x128xi32, #tpu.memory_space<vmem>>
        %dma_start3A_96 = tpu.memref_squeeze %dma_start3A_95 : memref<1x128xi32, #tpu.memory_space<vmem>> -> memref<128xi32, #tpu.memory_space<vmem>>
        %dma_start3A_97 = arith.constant 0 : i32
        %dma_start3A_98 = arith.constant 0 : i32
        %dma_start3A_99 = tpu.memref_slice %arg14[%dma_start3A_97, %dma_start3A_98] : memref<10240x64xf32, #tpu.memory_space<vmem_shared>> -> memref<10240x64xf32, #tpu.memory_space<vmem_shared>>
        tpu.enqueue_indirect_dma source(%arg10 : memref<128x64xf32, #tpu.memory_space<vmem>>) target(%dma_start3A_99 : memref<10240x64xf32, #tpu.memory_space<vmem_shared>>) offsets(%dma_start3A_96 : memref<128xi32, #tpu.memory_space<vmem>>) semaphore(%run_scoped3A_93 : memref<!tpu.dma_semaphore, #tpu.memory_space<semaphore_mem>>) {add = true}
        %dma_wait3A_100 = arith.constant 0 : i32
        %dma_wait3A_101 = tpu.memref_slice %arg9[%add3A_60, %dma_wait3A_100] : memref<158x128xi32, #tpu.memory_space<vmem>> -> memref<1x128xi32, #tpu.memory_space<vmem>>
        %dma_wait3A_102 = tpu.memref_squeeze %dma_wait3A_101 : memref<1x128xi32, #tpu.memory_space<vmem>> -> memref<128xi32, #tpu.memory_space<vmem>>
        %dma_wait3A_103 = arith.constant 0 : i32
        %dma_wait3A_104 = arith.constant 0 : i32
        %dma_wait3A_105 = tpu.memref_slice %arg14[%dma_wait3A_103, %dma_wait3A_104] : memref<10240x64xf32, #tpu.memory_space<vmem_shared>> -> memref<10240x64xf32, #tpu.memory_space<vmem_shared>>
        tpu.wait_indirect_dma semaphore(%run_scoped3A_93 : memref<!tpu.dma_semaphore, #tpu.memory_space<semaphore_mem>>) src(%arg10 : memref<128x64xf32, #tpu.memory_space<vmem>>) dst(%dma_wait3A_105 : memref<10240x64xf32, #tpu.memory_space<vmem_shared>>)
        tpu.yield
      }) : () -> ()
      %add3A_67 = arith.constant 2 : i32
      %add3A_68 = arith.addi %add3A_60, %add3A_67 : i32
      %dma_start3A_69 = arith.constant 0 : i32
      %dma_start3A_70 = tpu.memref_slice %arg8[%add3A_68, %dma_start3A_69] : memref<158x128xi32, #tpu.memory_space<vmem>> -> memref<1x128xi32, #tpu.memory_space<vmem>>
      %dma_start3A_71 = tpu.memref_squeeze %dma_start3A_70 : memref<1x128xi32, #tpu.memory_space<vmem>> -> memref<128xi32, #tpu.memory_space<vmem>>
      %dma_start3A_72 = arith.constant 0 : i32
      %dma_start3A_73 = arith.constant 0 : i32
      %dma_start3A_74 = tpu.memref_slice %arg2[%dma_start3A_72, %dma_start3A_73] : memref<20480x64xf32, #tpu.memory_space<hbm>> -> memref<20480x64xf32, #tpu.memory_space<hbm>>
      tpu.enqueue_indirect_dma source(%dma_start3A_74 : memref<20480x64xf32, #tpu.memory_space<hbm>>) target(%arg10 : memref<128x64xf32, #tpu.memory_space<vmem>>) offsets(%dma_start3A_71 : memref<128xi32, #tpu.memory_space<vmem>>) semaphore(%arg16 : memref<!tpu.dma_semaphore, #tpu.memory_space<semaphore_mem>>)
      %mul3A_75 = arith.constant 2 : i32
      %mul3A_76 = arith.muli %mul3A_75, %scan3A_56 : i32
      %add3A_77 = arith.constant 1 : i32
      %add3A_78 = arith.addi %mul3A_76, %add3A_77 : i32
      %dma_wait3A_79 = arith.constant 0 : i32
      %dma_wait3A_80 = tpu.memref_slice %arg8[%add3A_78, %dma_wait3A_79] : memref<158x128xi32, #tpu.memory_space<vmem>> -> memref<1x128xi32, #tpu.memory_space<vmem>>
      %dma_wait3A_81 = tpu.memref_squeeze %dma_wait3A_80 : memref<1x128xi32, #tpu.memory_space<vmem>> -> memref<128xi32, #tpu.memory_space<vmem>>
      %dma_wait3A_82 = arith.constant 0 : i32
      %dma_wait3A_83 = arith.constant 0 : i32
      %dma_wait3A_84 = tpu.memref_slice %arg2[%dma_wait3A_82, %dma_wait3A_83] : memref<20480x64xf32, #tpu.memory_space<hbm>> -> memref<20480x64xf32, #tpu.memory_space<hbm>>
      tpu.wait_indirect_dma semaphore(%arg17 : memref<!tpu.dma_semaphore, #tpu.memory_space<semaphore_mem>>) src(%dma_wait3A_84 : memref<20480x64xf32, #tpu.memory_space<hbm>>) dst(%arg11 : memref<128x64xf32, #tpu.memory_space<vmem>>)
      "tpu.region"() ({
        %run_scoped3A_93 = tpu.sem_alloc : memref<!tpu.dma_semaphore, #tpu.memory_space<semaphore_mem>>
        %dma_start3A_94 = arith.constant 0 : i32
        %dma_start3A_95 = tpu.memref_slice %arg9[%add3A_78, %dma_start3A_94] : memref<158x128xi32, #tpu.memory_space<vmem>> -> memref<1x128xi32, #tpu.memory_space<vmem>>
        %dma_start3A_96 = tpu.memref_squeeze %dma_start3A_95 : memref<1x128xi32, #tpu.memory_space<vmem>> -> memref<128xi32, #tpu.memory_space<vmem>>
        %dma_start3A_97 = arith.constant 0 : i32
        %dma_start3A_98 = arith.constant 0 : i32
        %dma_start3A_99 = tpu.memref_slice %arg14[%dma_start3A_97, %dma_start3A_98] : memref<10240x64xf32, #tpu.memory_space<vmem_shared>> -> memref<10240x64xf32, #tpu.memory_space<vmem_shared>>
        tpu.enqueue_indirect_dma source(%arg11 : memref<128x64xf32, #tpu.memory_space<vmem>>) target(%dma_start3A_99 : memref<10240x64xf32, #tpu.memory_space<vmem_shared>>) offsets(%dma_start3A_96 : memref<128xi32, #tpu.memory_space<vmem>>) semaphore(%run_scoped3A_93 : memref<!tpu.dma_semaphore, #tpu.memory_space<semaphore_mem>>) {add = true}
        %dma_wait3A_100 = arith.constant 0 : i32
        %dma_wait3A_101 = tpu.memref_slice %arg9[%add3A_78, %dma_wait3A_100] : memref<158x128xi32, #tpu.memory_space<vmem>> -> memref<1x128xi32, #tpu.memory_space<vmem>>
        %dma_wait3A_102 = tpu.memref_squeeze %dma_wait3A_101 : memref<1x128xi32, #tpu.memory_space<vmem>> -> memref<128xi32, #tpu.memory_space<vmem>>
        %dma_wait3A_103 = arith.constant 0 : i32
        %dma_wait3A_104 = arith.constant 0 : i32
        %dma_wait3A_105 = tpu.memref_slice %arg14[%dma_wait3A_103, %dma_wait3A_104] : memref<10240x64xf32, #tpu.memory_space<vmem_shared>> -> memref<10240x64xf32, #tpu.memory_space<vmem_shared>>
        tpu.wait_indirect_dma semaphore(%run_scoped3A_93 : memref<!tpu.dma_semaphore, #tpu.memory_space<semaphore_mem>>) src(%arg11 : memref<128x64xf32, #tpu.memory_space<vmem>>) dst(%dma_wait3A_105 : memref<10240x64xf32, #tpu.memory_space<vmem_shared>>)
        tpu.yield
      }) : () -> ()
      %add3A_85 = arith.constant 2 : i32
      %add3A_86 = arith.addi %add3A_78, %add3A_85 : i32
      %dma_start3A_87 = arith.constant 0 : i32
      %dma_start3A_88 = tpu.memref_slice %arg8[%add3A_86, %dma_start3A_87] : memref<158x128xi32, #tpu.memory_space<vmem>> -> memref<1x128xi32, #tpu.memory_space<vmem>>
      %dma_start3A_89 = tpu.memref_squeeze %dma_start3A_88 : memref<1x128xi32, #tpu.memory_space<vmem>> -> memref<128xi32, #tpu.memory_space<vmem>>
      %dma_start3A_90 = arith.constant 0 : i32
      %dma_start3A_91 = arith.constant 0 : i32
      %dma_start3A_92 = tpu.memref_slice %arg2[%dma_start3A_90, %dma_start3A_91] : memref<20480x64xf32, #tpu.memory_space<hbm>> -> memref<20480x64xf32, #tpu.memory_space<hbm>>
      tpu.enqueue_indirect_dma source(%dma_start3A_92 : memref<20480x64xf32, #tpu.memory_space<hbm>>) target(%arg11 : memref<128x64xf32, #tpu.memory_space<vmem>>) offsets(%dma_start3A_89 : memref<128xi32, #tpu.memory_space<vmem>>) semaphore(%arg17 : memref<!tpu.dma_semaphore, #tpu.memory_space<semaphore_mem>>)
    }
    %scan3A_30 = arith.constant 78 : i32
    %dma_wait3A = arith.constant 156 : i32
    %dma_wait3A_31 = arith.constant 0 : i32
    %dma_wait3A_32 = tpu.memref_slice %arg8[%dma_wait3A, %dma_wait3A_31] : memref<158x128xi32, #tpu.memory_space<vmem>> -> memref<1x128xi32, #tpu.memory_space<vmem>>
    %dma_wait3A_33 = tpu.memref_squeeze %dma_wait3A_32 : memref<1x128xi32, #tpu.memory_space<vmem>> -> memref<128xi32, #tpu.memory_space<vmem>>
    %dma_wait3A_34 = arith.constant 0 : i32
    %dma_wait3A_35 = arith.constant 0 : i32
    %dma_wait3A_36 = tpu.memref_slice %arg2[%dma_wait3A_34, %dma_wait3A_35] : memref<20480x64xf32, #tpu.memory_space<hbm>> -> memref<20480x64xf32, #tpu.memory_space<hbm>>
    tpu.wait_indirect_dma semaphore(%arg16 : memref<!tpu.dma_semaphore, #tpu.memory_space<semaphore_mem>>) src(%dma_wait3A_36 : memref<20480x64xf32, #tpu.memory_space<hbm>>) dst(%arg10 : memref<128x64xf32, #tpu.memory_space<vmem>>)
    %run_scoped3A = arith.constant 156 : i32
    "tpu.region"() ({
      %run_scoped3A_56 = tpu.sem_alloc : memref<!tpu.dma_semaphore, #tpu.memory_space<semaphore_mem>>
      %dma_start3A_57 = arith.constant 0 : i32
      %dma_start3A_58 = tpu.memref_slice %arg9[%run_scoped3A, %dma_start3A_57] : memref<158x128xi32, #tpu.memory_space<vmem>> -> memref<1x128xi32, #tpu.memory_space<vmem>>
      %dma_start3A_59 = tpu.memref_squeeze %dma_start3A_58 : memref<1x128xi32, #tpu.memory_space<vmem>> -> memref<128xi32, #tpu.memory_space<vmem>>
      %dma_start3A_60 = arith.constant 0 : i32
      %dma_start3A_61 = arith.constant 0 : i32
      %dma_start3A_62 = tpu.memref_slice %arg14[%dma_start3A_60, %dma_start3A_61] : memref<10240x64xf32, #tpu.memory_space<vmem_shared>> -> memref<10240x64xf32, #tpu.memory_space<vmem_shared>>
      tpu.enqueue_indirect_dma source(%arg10 : memref<128x64xf32, #tpu.memory_space<vmem>>) target(%dma_start3A_62 : memref<10240x64xf32, #tpu.memory_space<vmem_shared>>) offsets(%dma_start3A_59 : memref<128xi32, #tpu.memory_space<vmem>>) semaphore(%run_scoped3A_56 : memref<!tpu.dma_semaphore, #tpu.memory_space<semaphore_mem>>) {add = true}
      %dma_wait3A_63 = arith.constant 0 : i32
      %dma_wait3A_64 = tpu.memref_slice %arg9[%run_scoped3A, %dma_wait3A_63] : memref<158x128xi32, #tpu.memory_space<vmem>> -> memref<1x128xi32, #tpu.memory_space<vmem>>
      %dma_wait3A_65 = tpu.memref_squeeze %dma_wait3A_64 : memref<1x128xi32, #tpu.memory_space<vmem>> -> memref<128xi32, #tpu.memory_space<vmem>>
      %dma_wait3A_66 = arith.constant 0 : i32
      %dma_wait3A_67 = arith.constant 0 : i32
      %dma_wait3A_68 = tpu.memref_slice %arg14[%dma_wait3A_66, %dma_wait3A_67] : memref<10240x64xf32, #tpu.memory_space<vmem_shared>> -> memref<10240x64xf32, #tpu.memory_space<vmem_shared>>
      tpu.wait_indirect_dma semaphore(%run_scoped3A_56 : memref<!tpu.dma_semaphore, #tpu.memory_space<semaphore_mem>>) src(%arg10 : memref<128x64xf32, #tpu.memory_space<vmem>>) dst(%dma_wait3A_68 : memref<10240x64xf32, #tpu.memory_space<vmem_shared>>)
      tpu.yield
    }) : () -> ()
    %dma_wait3A_37 = arith.constant 157 : i32
    %dma_wait3A_38 = arith.constant 0 : i32
    %dma_wait3A_39 = tpu.memref_slice %arg8[%dma_wait3A_37, %dma_wait3A_38] : memref<158x128xi32, #tpu.memory_space<vmem>> -> memref<1x128xi32, #tpu.memory_space<vmem>>
    %dma_wait3A_40 = tpu.memref_squeeze %dma_wait3A_39 : memref<1x128xi32, #tpu.memory_space<vmem>> -> memref<128xi32, #tpu.memory_space<vmem>>
    %dma_wait3A_41 = arith.constant 0 : i32
    %dma_wait3A_42 = arith.constant 0 : i32
    %dma_wait3A_43 = tpu.memref_slice %arg2[%dma_wait3A_41, %dma_wait3A_42] : memref<20480x64xf32, #tpu.memory_space<hbm>> -> memref<20480x64xf32, #tpu.memory_space<hbm>>
    tpu.wait_indirect_dma semaphore(%arg17 : memref<!tpu.dma_semaphore, #tpu.memory_space<semaphore_mem>>) src(%dma_wait3A_43 : memref<20480x64xf32, #tpu.memory_space<hbm>>) dst(%arg11 : memref<128x64xf32, #tpu.memory_space<vmem>>)
    %run_scoped3A_44 = arith.constant 157 : i32
    "tpu.region"() ({
      %run_scoped3A_56 = tpu.sem_alloc : memref<!tpu.dma_semaphore, #tpu.memory_space<semaphore_mem>>
      %dma_start3A_57 = arith.constant 0 : i32
      %dma_start3A_58 = tpu.memref_slice %arg9[%run_scoped3A_44, %dma_start3A_57] : memref<158x128xi32, #tpu.memory_space<vmem>> -> memref<1x128xi32, #tpu.memory_space<vmem>>
      %dma_start3A_59 = tpu.memref_squeeze %dma_start3A_58 : memref<1x128xi32, #tpu.memory_space<vmem>> -> memref<128xi32, #tpu.memory_space<vmem>>
      %dma_start3A_60 = arith.constant 0 : i32
      %dma_start3A_61 = arith.constant 0 : i32
      %dma_start3A_62 = tpu.memref_slice %arg14[%dma_start3A_60, %dma_start3A_61] : memref<10240x64xf32, #tpu.memory_space<vmem_shared>> -> memref<10240x64xf32, #tpu.memory_space<vmem_shared>>
      tpu.enqueue_indirect_dma source(%arg11 : memref<128x64xf32, #tpu.memory_space<vmem>>) target(%dma_start3A_62 : memref<10240x64xf32, #tpu.memory_space<vmem_shared>>) offsets(%dma_start3A_59 : memref<128xi32, #tpu.memory_space<vmem>>) semaphore(%run_scoped3A_56 : memref<!tpu.dma_semaphore, #tpu.memory_space<semaphore_mem>>) {add = true}
      %dma_wait3A_63 = arith.constant 0 : i32
      %dma_wait3A_64 = tpu.memref_slice %arg9[%run_scoped3A_44, %dma_wait3A_63] : memref<158x128xi32, #tpu.memory_space<vmem>> -> memref<1x128xi32, #tpu.memory_space<vmem>>
      %dma_wait3A_65 = tpu.memref_squeeze %dma_wait3A_64 : memref<1x128xi32, #tpu.memory_space<vmem>> -> memref<128xi32, #tpu.memory_space<vmem>>
      %dma_wait3A_66 = arith.constant 0 : i32
      %dma_wait3A_67 = arith.constant 0 : i32
      %dma_wait3A_68 = tpu.memref_slice %arg14[%dma_wait3A_66, %dma_wait3A_67] : memref<10240x64xf32, #tpu.memory_space<vmem_shared>> -> memref<10240x64xf32, #tpu.memory_space<vmem_shared>>
      tpu.wait_indirect_dma semaphore(%run_scoped3A_56 : memref<!tpu.dma_semaphore, #tpu.memory_space<semaphore_mem>>) src(%arg11 : memref<128x64xf32, #tpu.memory_space<vmem>>) dst(%dma_wait3A_68 : memref<10240x64xf32, #tpu.memory_space<vmem_shared>>)
      tpu.yield
    }) : () -> ()
    %barrier3A_45 = arith.constant 0 : index
    tpu.barrier barrier_id(%barrier3A_45)
    %add3A_46 = arith.constant 0 : i32
    %add3A_47 = arith.addi %mul3A_2, %add3A_46 : i32
    "tpu.region"() ({
      %run_scoped3A_56 = tpu.sem_alloc : memref<!tpu.dma_semaphore, #tpu.memory_space<semaphore_mem>>
      %dma_start3A_57 = arith.constant 0 : i32
      %dma_start3A_58 = tpu.memref_slice %arg7[%arg0, %add3A_47, %dma_start3A_57] : memref<2x10240x64xf32, #tpu.memory_space<hbm>> -> memref<1x128x64xf32, #tpu.memory_space<hbm>>
      %dma_start3A_59 = tpu.memref_squeeze %dma_start3A_58 : memref<1x128x64xf32, #tpu.memory_space<hbm>> -> memref<128x64xf32, #tpu.memory_space<hbm>>
      %dma_start3A_60 = arith.constant 0 : i32
      %dma_start3A_61 = tpu.memref_slice %arg14[%add3A_47, %dma_start3A_60] : memref<10240x64xf32, #tpu.memory_space<vmem_shared>> -> memref<128x64xf32, #tpu.memory_space<vmem_shared>>
      tpu.enqueue_dma source(%dma_start3A_61 : memref<128x64xf32, #tpu.memory_space<vmem_shared>>) target(%dma_start3A_59 : memref<128x64xf32, #tpu.memory_space<hbm>>) target_semaphore(%run_scoped3A_56 : memref<!tpu.dma_semaphore, #tpu.memory_space<semaphore_mem>>)
      %dma_wait3A_62 = arith.constant 0 : i32
      %dma_wait3A_63 = tpu.memref_slice %arg7[%arg0, %add3A_47, %dma_wait3A_62] : memref<2x10240x64xf32, #tpu.memory_space<hbm>> -> memref<1x128x64xf32, #tpu.memory_space<hbm>>
      %dma_wait3A_64 = tpu.memref_squeeze %dma_wait3A_63 : memref<1x128x64xf32, #tpu.memory_space<hbm>> -> memref<128x64xf32, #tpu.memory_space<hbm>>
      %dma_wait3A_65 = arith.constant 0 : i32
      %dma_wait3A_66 = tpu.memref_slice %arg14[%add3A_47, %dma_wait3A_65] : memref<10240x64xf32, #tpu.memory_space<vmem_shared>> -> memref<128x64xf32, #tpu.memory_space<vmem_shared>>
      tpu.wait_dma2 semaphore(%run_scoped3A_56 : memref<!tpu.dma_semaphore, #tpu.memory_space<semaphore_mem>>) src(%dma_wait3A_66 : memref<128x64xf32, #tpu.memory_space<vmem_shared>>) dst(%dma_wait3A_64 : memref<128x64xf32, #tpu.memory_space<hbm>>)
      tpu.yield
    }) : () -> ()
    %add3A_48 = arith.constant 128 : i32
    %add3A_49 = arith.addi %mul3A_2, %add3A_48 : i32
    "tpu.region"() ({
      %run_scoped3A_56 = tpu.sem_alloc : memref<!tpu.dma_semaphore, #tpu.memory_space<semaphore_mem>>
      %dma_start3A_57 = arith.constant 0 : i32
      %dma_start3A_58 = tpu.memref_slice %arg7[%arg0, %add3A_49, %dma_start3A_57] : memref<2x10240x64xf32, #tpu.memory_space<hbm>> -> memref<1x128x64xf32, #tpu.memory_space<hbm>>
      %dma_start3A_59 = tpu.memref_squeeze %dma_start3A_58 : memref<1x128x64xf32, #tpu.memory_space<hbm>> -> memref<128x64xf32, #tpu.memory_space<hbm>>
      %dma_start3A_60 = arith.constant 0 : i32
      %dma_start3A_61 = tpu.memref_slice %arg14[%add3A_49, %dma_start3A_60] : memref<10240x64xf32, #tpu.memory_space<vmem_shared>> -> memref<128x64xf32, #tpu.memory_space<vmem_shared>>
      tpu.enqueue_dma source(%dma_start3A_61 : memref<128x64xf32, #tpu.memory_space<vmem_shared>>) target(%dma_start3A_59 : memref<128x64xf32, #tpu.memory_space<hbm>>) target_semaphore(%run_scoped3A_56 : memref<!tpu.dma_semaphore, #tpu.memory_space<semaphore_mem>>)
      %dma_wait3A_62 = arith.constant 0 : i32
      %dma_wait3A_63 = tpu.memref_slice %arg7[%arg0, %add3A_49, %dma_wait3A_62] : memref<2x10240x64xf32, #tpu.memory_space<hbm>> -> memref<1x128x64xf32, #tpu.memory_space<hbm>>
      %dma_wait3A_64 = tpu.memref_squeeze %dma_wait3A_63 : memref<1x128x64xf32, #tpu.memory_space<hbm>> -> memref<128x64xf32, #tpu.memory_space<hbm>>
      %dma_wait3A_65 = arith.constant 0 : i32
      %dma_wait3A_66 = tpu.memref_slice %arg14[%add3A_49, %dma_wait3A_65] : memref<10240x64xf32, #tpu.memory_space<vmem_shared>> -> memref<128x64xf32, #tpu.memory_space<vmem_shared>>
      tpu.wait_dma2 semaphore(%run_scoped3A_56 : memref<!tpu.dma_semaphore, #tpu.memory_space<semaphore_mem>>) src(%dma_wait3A_66 : memref<128x64xf32, #tpu.memory_space<vmem_shared>>) dst(%dma_wait3A_64 : memref<128x64xf32, #tpu.memory_space<hbm>>)
      tpu.yield
    }) : () -> ()
    %add3A_50 = arith.constant 256 : i32
    %add3A_51 = arith.addi %mul3A_2, %add3A_50 : i32
    "tpu.region"() ({
      %run_scoped3A_56 = tpu.sem_alloc : memref<!tpu.dma_semaphore, #tpu.memory_space<semaphore_mem>>
      %dma_start3A_57 = arith.constant 0 : i32
      %dma_start3A_58 = tpu.memref_slice %arg7[%arg0, %add3A_51, %dma_start3A_57] : memref<2x10240x64xf32, #tpu.memory_space<hbm>> -> memref<1x128x64xf32, #tpu.memory_space<hbm>>
      %dma_start3A_59 = tpu.memref_squeeze %dma_start3A_58 : memref<1x128x64xf32, #tpu.memory_space<hbm>> -> memref<128x64xf32, #tpu.memory_space<hbm>>
      %dma_start3A_60 = arith.constant 0 : i32
      %dma_start3A_61 = tpu.memref_slice %arg14[%add3A_51, %dma_start3A_60] : memref<10240x64xf32, #tpu.memory_space<vmem_shared>> -> memref<128x64xf32, #tpu.memory_space<vmem_shared>>
      tpu.enqueue_dma source(%dma_start3A_61 : memref<128x64xf32, #tpu.memory_space<vmem_shared>>) target(%dma_start3A_59 : memref<128x64xf32, #tpu.memory_space<hbm>>) target_semaphore(%run_scoped3A_56 : memref<!tpu.dma_semaphore, #tpu.memory_space<semaphore_mem>>)
      %dma_wait3A_62 = arith.constant 0 : i32
      %dma_wait3A_63 = tpu.memref_slice %arg7[%arg0, %add3A_51, %dma_wait3A_62] : memref<2x10240x64xf32, #tpu.memory_space<hbm>> -> memref<1x128x64xf32, #tpu.memory_space<hbm>>
      %dma_wait3A_64 = tpu.memref_squeeze %dma_wait3A_63 : memref<1x128x64xf32, #tpu.memory_space<hbm>> -> memref<128x64xf32, #tpu.memory_space<hbm>>
      %dma_wait3A_65 = arith.constant 0 : i32
      %dma_wait3A_66 = tpu.memref_slice %arg14[%add3A_51, %dma_wait3A_65] : memref<10240x64xf32, #tpu.memory_space<vmem_shared>> -> memref<128x64xf32, #tpu.memory_space<vmem_shared>>
      tpu.wait_dma2 semaphore(%run_scoped3A_56 : memref<!tpu.dma_semaphore, #tpu.memory_space<semaphore_mem>>) src(%dma_wait3A_66 : memref<128x64xf32, #tpu.memory_space<vmem_shared>>) dst(%dma_wait3A_64 : memref<128x64xf32, #tpu.memory_space<hbm>>)
      tpu.yield
    }) : () -> ()
    %add3A_52 = arith.constant 384 : i32
    %add3A_53 = arith.addi %mul3A_2, %add3A_52 : i32
    "tpu.region"() ({
      %run_scoped3A_56 = tpu.sem_alloc : memref<!tpu.dma_semaphore, #tpu.memory_space<semaphore_mem>>
      %dma_start3A_57 = arith.constant 0 : i32
      %dma_start3A_58 = tpu.memref_slice %arg7[%arg0, %add3A_53, %dma_start3A_57] : memref<2x10240x64xf32, #tpu.memory_space<hbm>> -> memref<1x128x64xf32, #tpu.memory_space<hbm>>
      %dma_start3A_59 = tpu.memref_squeeze %dma_start3A_58 : memref<1x128x64xf32, #tpu.memory_space<hbm>> -> memref<128x64xf32, #tpu.memory_space<hbm>>
      %dma_start3A_60 = arith.constant 0 : i32
      %dma_start3A_61 = tpu.memref_slice %arg14[%add3A_53, %dma_start3A_60] : memref<10240x64xf32, #tpu.memory_space<vmem_shared>> -> memref<128x64xf32, #tpu.memory_space<vmem_shared>>
      tpu.enqueue_dma source(%dma_start3A_61 : memref<128x64xf32, #tpu.memory_space<vmem_shared>>) target(%dma_start3A_59 : memref<128x64xf32, #tpu.memory_space<hbm>>) target_semaphore(%run_scoped3A_56 : memref<!tpu.dma_semaphore, #tpu.memory_space<semaphore_mem>>)
      %dma_wait3A_62 = arith.constant 0 : i32
      %dma_wait3A_63 = tpu.memref_slice %arg7[%arg0, %add3A_53, %dma_wait3A_62] : memref<2x10240x64xf32, #tpu.memory_space<hbm>> -> memref<1x128x64xf32, #tpu.memory_space<hbm>>
      %dma_wait3A_64 = tpu.memref_squeeze %dma_wait3A_63 : memref<1x128x64xf32, #tpu.memory_space<hbm>> -> memref<128x64xf32, #tpu.memory_space<hbm>>
      %dma_wait3A_65 = arith.constant 0 : i32
      %dma_wait3A_66 = tpu.memref_slice %arg14[%add3A_53, %dma_wait3A_65] : memref<10240x64xf32, #tpu.memory_space<vmem_shared>> -> memref<128x64xf32, #tpu.memory_space<vmem_shared>>
      tpu.wait_dma2 semaphore(%run_scoped3A_56 : memref<!tpu.dma_semaphore, #tpu.memory_space<semaphore_mem>>) src(%dma_wait3A_66 : memref<128x64xf32, #tpu.memory_space<vmem_shared>>) dst(%dma_wait3A_64 : memref<128x64xf32, #tpu.memory_space<hbm>>)
      tpu.yield
    }) : () -> ()
    %add3A_54 = arith.constant 512 : i32
    %add3A_55 = arith.addi %mul3A_2, %add3A_54 : i32
    "tpu.region"() ({
      %run_scoped3A_56 = tpu.sem_alloc : memref<!tpu.dma_semaphore, #tpu.memory_space<semaphore_mem>>
      %dma_start3A_57 = arith.constant 0 : i32
      %dma_start3A_58 = tpu.memref_slice %arg7[%arg0, %add3A_55, %dma_start3A_57] : memref<2x10240x64xf32, #tpu.memory_space<hbm>> -> memref<1x128x64xf32, #tpu.memory_space<hbm>>
      %dma_start3A_59 = tpu.memref_squeeze %dma_start3A_58 : memref<1x128x64xf32, #tpu.memory_space<hbm>> -> memref<128x64xf32, #tpu.memory_space<hbm>>
      %dma_start3A_60 = arith.constant 0 : i32
      %dma_start3A_61 = tpu.memref_slice %arg14[%add3A_55, %dma_start3A_60] : memref<10240x64xf32, #tpu.memory_space<vmem_shared>> -> memref<128x64xf32, #tpu.memory_space<vmem_shared>>
      tpu.enqueue_dma source(%dma_start3A_61 : memref<128x64xf32, #tpu.memory_space<vmem_shared>>) target(%dma_start3A_59 : memref<128x64xf32, #tpu.memory_space<hbm>>) target_semaphore(%run_scoped3A_56 : memref<!tpu.dma_semaphore, #tpu.memory_space<semaphore_mem>>)
      %dma_wait3A_62 = arith.constant 0 : i32
      %dma_wait3A_63 = tpu.memref_slice %arg7[%arg0, %add3A_55, %dma_wait3A_62] : memref<2x10240x64xf32, #tpu.memory_space<hbm>> -> memref<1x128x64xf32, #tpu.memory_space<hbm>>
      %dma_wait3A_64 = tpu.memref_squeeze %dma_wait3A_63 : memref<1x128x64xf32, #tpu.memory_space<hbm>> -> memref<128x64xf32, #tpu.memory_space<hbm>>
      %dma_wait3A_65 = arith.constant 0 : i32
      %dma_wait3A_66 = tpu.memref_slice %arg14[%add3A_55, %dma_wait3A_65] : memref<10240x64xf32, #tpu.memory_space<vmem_shared>> -> memref<128x64xf32, #tpu.memory_space<vmem_shared>>
      tpu.wait_dma2 semaphore(%run_scoped3A_56 : memref<!tpu.dma_semaphore, #tpu.memory_space<semaphore_mem>>) src(%dma_wait3A_66 : memref<128x64xf32, #tpu.memory_space<vmem_shared>>) dst(%dma_wait3A_64 : memref<128x64xf32, #tpu.memory_space<hbm>>)
      tpu.yield
    }) : () -> ()
    return
  }
}

module attributes {stable_mosaic.version = 14 : i64} {
  func.func @_combine_body(%arg0: i32, %arg1: memref<2x1024x64xf32, #tpu.memory_space<vmem>>, %arg2: memref<1x1024x8xf32, #tpu.memory_space<vmem>>, %arg3: memref<2x1024x64xf32, #tpu.memory_space<vmem>>, %arg4: memref<128x128xf32, #tpu.memory_space<vmem>>, %arg5: memref<8x128xf32, #tpu.memory_space<vmem>>, %arg6: memref<128x128xf32, #tpu.memory_space<vmem>>, %arg7: memref<2x1024x64xf32, #tpu.memory_space<vmem>>) attributes {dimension_semantics = [#tpu.dimension_semantics<arbitrary>], iteration_bounds = array<i64: 10>, scalar_prefetch = 0 : i64, scratch_operands = 0 : i64, tpu.core_type = #tpu.core_type<tc>, window_params = [{transform_indices = @transform_0, window_bounds = array<i64: 2, 1024, 64>}, {transform_indices = @transform_1, window_bounds = array<i64: 1, 1024, 8>}, {transform_indices = @transform_2, window_bounds = array<i64: 2, 1024, 64>}, {pipeline_mode = #tpu.pipeline_mode<synchronous>, transform_indices = @transform_3, window_bounds = array<i64: 128, 128>}, {pipeline_mode = #tpu.pipeline_mode<synchronous>, transform_indices = @transform_4, window_bounds = array<i64: 8, 128>}, {pipeline_mode = #tpu.pipeline_mode<synchronous>, transform_indices = @transform_5, window_bounds = array<i64: 128, 128>}, {transform_indices = @transform_6, window_bounds = array<i64: 2, 1024, 64>}]} {
    %get3A = arith.constant 0 : index
    %get3A_0 = arith.constant 0 : index
    %get3A_1 = arith.constant 0 : index
    %get3A_2 = vector.load %arg2[%get3A, %get3A_0, %get3A_1] : memref<1x1024x8xf32, #tpu.memory_space<vmem>>, vector<1x1024x1xf32>
    %get3A_3 = vector.shape_cast %get3A_2 : vector<1x1024x1xf32> to vector<1024x1xf32>
    %max3A = arith.constant 1.000000e+00 : f32
    %max3A_4 = vector.broadcast %max3A : f32 to vector<1024x1xf32>
    %max3A_5 = arith.maximumf %get3A_3, %max3A_4 : vector<1024x1xf32>
    %get3A_6 = arith.constant 0 : index
    %get3A_7 = arith.constant 0 : index
    %get3A_8 = vector.load %arg5[%get3A_6, %get3A_7] : memref<8x128xf32, #tpu.memory_space<vmem>>, vector<1x128xf32>
    %get3A_9 = arith.constant 0 : index
    %get3A_10 = arith.constant 0 : index
    %get3A_11 = arith.constant 0 : index
    %get3A_12 = vector.load %arg1[%get3A_9, %get3A_10, %get3A_11] : memref<2x1024x64xf32, #tpu.memory_space<vmem>>, vector<1x1024x64xf32>
    %get3A_13 = vector.shape_cast %get3A_12 : vector<1x1024x64xf32> to vector<1024x64xf32>
    %div3A = vector.broadcast %max3A_5 : vector<1024x1xf32> to vector<1024x64xf32>
    %div3A_14 = arith.divf %get3A_13, %div3A : vector<1024x64xf32>
    %get3A_15 = arith.constant 0 : index
    %get3A_16 = arith.constant 0 : index
    %get3A_17 = vector.load %arg4[%get3A_15, %get3A_16] : memref<128x128xf32, #tpu.memory_space<vmem>>, vector<64x128xf32>
    %dot_general3A = arith.constant dense<0.000000e+00> : vector<1024x128xf32>
    %dot_general3A_18 = tpu.matmul %div3A_14, %get3A_17, %dot_general3A {dimension_numbers = #tpu.dot_dimension_numbers<[1], [0], [0], [1], [0, 0, 1, 1], [], []>, precision = #tpu.contract_precision<fp32>, transpose_lhs_hint = false} : vector<1024x64xf32>, vector<64x128xf32>, vector<1024x128xf32> -> vector<1024x128xf32>
    %add3A = vector.broadcast %get3A_8 : vector<1x128xf32> to vector<1024x128xf32>
    %add3A_19 = arith.addf %add3A, %dot_general3A_18 : vector<1024x128xf32>
    %get3A_20 = arith.constant 0 : index
    %get3A_21 = arith.constant 0 : index
    %get3A_22 = arith.constant 0 : index
    %get3A_23 = vector.load %arg3[%get3A_20, %get3A_21, %get3A_22] : memref<2x1024x64xf32, #tpu.memory_space<vmem>>, vector<1x1024x64xf32>
    %get3A_24 = vector.shape_cast %get3A_23 : vector<1x1024x64xf32> to vector<1024x64xf32>
    %get3A_25 = arith.constant 0 : index
    %get3A_26 = arith.constant 0 : index
    %get3A_27 = vector.load %arg6[%get3A_25, %get3A_26] : memref<128x128xf32, #tpu.memory_space<vmem>>, vector<64x128xf32>
    %dot_general3A_28 = arith.constant dense<0.000000e+00> : vector<1024x128xf32>
    %dot_general3A_29 = tpu.matmul %get3A_24, %get3A_27, %dot_general3A_28 {dimension_numbers = #tpu.dot_dimension_numbers<[1], [0], [0], [1], [0, 0, 1, 1], [], []>, precision = #tpu.contract_precision<fp32>, transpose_lhs_hint = false} : vector<1024x64xf32>, vector<64x128xf32>, vector<1024x128xf32> -> vector<1024x128xf32>
    %add3A_30 = arith.addf %add3A_19, %dot_general3A_29 : vector<1024x128xf32>
    %get3A_31 = arith.constant 1 : index
    %get3A_32 = arith.constant 0 : index
    %get3A_33 = arith.constant 0 : index
    %get3A_34 = vector.load %arg1[%get3A_31, %get3A_32, %get3A_33] : memref<2x1024x64xf32, #tpu.memory_space<vmem>>, vector<1x1024x64xf32>
    %get3A_35 = vector.shape_cast %get3A_34 : vector<1x1024x64xf32> to vector<1024x64xf32>
    %div3A_36 = vector.broadcast %max3A_5 : vector<1024x1xf32> to vector<1024x64xf32>
    %div3A_37 = arith.divf %get3A_35, %div3A_36 : vector<1024x64xf32>
    %get3A_38 = arith.constant 64 : index
    %get3A_39 = arith.constant 0 : index
    %get3A_40 = vector.load %arg4[%get3A_38, %get3A_39] : memref<128x128xf32, #tpu.memory_space<vmem>>, vector<64x128xf32>
    %dot_general3A_41 = arith.constant dense<0.000000e+00> : vector<1024x128xf32>
    %dot_general3A_42 = tpu.matmul %div3A_37, %get3A_40, %dot_general3A_41 {dimension_numbers = #tpu.dot_dimension_numbers<[1], [0], [0], [1], [0, 0, 1, 1], [], []>, precision = #tpu.contract_precision<fp32>, transpose_lhs_hint = false} : vector<1024x64xf32>, vector<64x128xf32>, vector<1024x128xf32> -> vector<1024x128xf32>
    %add3A_43 = arith.addf %add3A_30, %dot_general3A_42 : vector<1024x128xf32>
    %get3A_44 = arith.constant 1 : index
    %get3A_45 = arith.constant 0 : index
    %get3A_46 = arith.constant 0 : index
    %get3A_47 = vector.load %arg3[%get3A_44, %get3A_45, %get3A_46] : memref<2x1024x64xf32, #tpu.memory_space<vmem>>, vector<1x1024x64xf32>
    %get3A_48 = vector.shape_cast %get3A_47 : vector<1x1024x64xf32> to vector<1024x64xf32>
    %get3A_49 = arith.constant 64 : index
    %get3A_50 = arith.constant 0 : index
    %get3A_51 = vector.load %arg6[%get3A_49, %get3A_50] : memref<128x128xf32, #tpu.memory_space<vmem>>, vector<64x128xf32>
    %dot_general3A_52 = arith.constant dense<0.000000e+00> : vector<1024x128xf32>
    %dot_general3A_53 = tpu.matmul %get3A_48, %get3A_51, %dot_general3A_52 {dimension_numbers = #tpu.dot_dimension_numbers<[1], [0], [0], [1], [0, 0, 1, 1], [], []>, precision = #tpu.contract_precision<fp32>, transpose_lhs_hint = false} : vector<1024x64xf32>, vector<64x128xf32>, vector<1024x128xf32> -> vector<1024x128xf32>
    %add3A_54 = arith.addf %add3A_43, %dot_general3A_53 : vector<1024x128xf32>
    %max3A_55 = arith.constant 0.000000e+00 : f32
    %max3A_56 = vector.broadcast %max3A_55 : f32 to vector<1024x128xf32>
    %max3A_57 = arith.maximumf %add3A_54, %max3A_56 : vector<1024x128xf32>
    %slice3A = vector.extract_strided_slice %max3A_57 {offsets = [0, 0], sizes = [1024, 64], strides = [1, 1]} : vector<1024x128xf32> to vector<1024x64xf32>
    %swap3A = arith.constant 0 : index
    %swap3A_58 = arith.constant 0 : index
    %swap3A_59 = arith.constant 0 : index
    %swap3A_60 = vector.load %arg7[%swap3A, %swap3A_58, %swap3A_59] : memref<2x1024x64xf32, #tpu.memory_space<vmem>>, vector<1x1024x64xf32>
    %swap3A_61 = vector.shape_cast %swap3A_60 : vector<1x1024x64xf32> to vector<1024x64xf32>
    %swap3A_62 = vector.shape_cast %slice3A : vector<1024x64xf32> to vector<1x1024x64xf32>
    tpu.vector_store %arg7[%swap3A, %swap3A_58, %swap3A_59], %swap3A_62 {strides = array<i32>} : memref<2x1024x64xf32, #tpu.memory_space<vmem>>, vector<1x1024x64xf32>,
    %slice3A_63 = vector.extract_strided_slice %max3A_57 {offsets = [0, 64], sizes = [1024, 64], strides = [1, 1]} : vector<1024x128xf32> to vector<1024x64xf32>
    %swap3A_64 = arith.constant 1 : index
    %swap3A_65 = arith.constant 0 : index
    %swap3A_66 = arith.constant 0 : index
    %swap3A_67 = vector.load %arg7[%swap3A_64, %swap3A_65, %swap3A_66] : memref<2x1024x64xf32, #tpu.memory_space<vmem>>, vector<1x1024x64xf32>
    %swap3A_68 = vector.shape_cast %swap3A_67 : vector<1x1024x64xf32> to vector<1024x64xf32>
    %swap3A_69 = vector.shape_cast %slice3A_63 : vector<1024x64xf32> to vector<1x1024x64xf32>
    tpu.vector_store %arg7[%swap3A_64, %swap3A_65, %swap3A_66], %swap3A_69 {strides = array<i32>} : memref<2x1024x64xf32, #tpu.memory_space<vmem>>, vector<1x1024x64xf32>,
    return
  }
  func.func @transform_0(%arg0: i32) -> (i32, i32, i32) {
    %c0_i32 = arith.constant 0 : i32
    %c0_i32_0 = arith.constant 0 : i32
    %c0_i32_1 = arith.constant 0 : i32
    return %c0_i32, %arg0, %c0_i32_0 : i32, i32, i32
  }
  func.func @transform_1(%arg0: i32) -> (i32, i32, i32) {
    %c0_i32 = arith.constant 0 : i32
    %c0_i32_0 = arith.constant 0 : i32
    %c0_i32_1 = arith.constant 0 : i32
    return %c0_i32, %arg0, %c0_i32_0 : i32, i32, i32
  }
  func.func @transform_2(%arg0: i32) -> (i32, i32, i32) {
    %c0_i32 = arith.constant 0 : i32
    %c0_i32_0 = arith.constant 0 : i32
    %c0_i32_1 = arith.constant 0 : i32
    return %c0_i32, %arg0, %c0_i32_0 : i32, i32, i32
  }
  func.func @transform_3(%arg0: i32) -> (i32, i32) {
    %c0_i32 = arith.constant 0 : i32
    %c0_i32_0 = arith.constant 0 : i32
    %c0_i32_1 = arith.constant 0 : i32
    return %c0_i32, %c0_i32_0 : i32, i32
  }
  func.func @transform_4(%arg0: i32) -> (i32, i32) {
    %c0_i32 = arith.constant 0 : i32
    %c0_i32_0 = arith.constant 0 : i32
    %c0_i32_1 = arith.constant 0 : i32
    return %c0_i32, %c0_i32_0 : i32, i32
  }
  func.func @transform_5(%arg0: i32) -> (i32, i32) {
    %c0_i32 = arith.constant 0 : i32
    %c0_i32_0 = arith.constant 0 : i32
    %c0_i32_1 = arith.constant 0 : i32
    return %c0_i32, %c0_i32_0 : i32, i32
  }
  func.func @transform_6(%arg0: i32) -> (i32, i32, i32) {
    %c0_i32 = arith.constant 0 : i32
    %c0_i32_0 = arith.constant 0 : i32
    %c0_i32_1 = arith.constant 0 : i32
    return %c0_i32, %arg0, %c0_i32_0 : i32, i32, i32
  }
}

module attributes {stable_mosaic.version = 14 : i64} {
  func.func @_combine_body(%arg0: i32, %arg1: memref<2x1024x64xf32, #tpu.memory_space<vmem>>, %arg2: memref<1x1024x8xf32, #tpu.memory_space<vmem>>, %arg3: memref<2x1024x64xf32, #tpu.memory_space<vmem>>, %arg4: memref<128x128xf32, #tpu.memory_space<vmem>>, %arg5: memref<8x128xf32, #tpu.memory_space<vmem>>, %arg6: memref<128x128xf32, #tpu.memory_space<vmem>>, %arg7: memref<1024x128xf32, #tpu.memory_space<vmem>>) attributes {dimension_semantics = [#tpu.dimension_semantics<arbitrary>], iteration_bounds = array<i64: 10>, scalar_prefetch = 0 : i64, scratch_operands = 0 : i64, tpu.core_type = #tpu.core_type<tc>, window_params = [{transform_indices = @transform_0, window_bounds = array<i64: 2, 1024, 64>}, {transform_indices = @transform_1, window_bounds = array<i64: 1, 1024, 8>}, {transform_indices = @transform_2, window_bounds = array<i64: 2, 1024, 64>}, {pipeline_mode = #tpu.pipeline_mode<synchronous>, transform_indices = @transform_3, window_bounds = array<i64: 128, 128>}, {pipeline_mode = #tpu.pipeline_mode<synchronous>, transform_indices = @transform_4, window_bounds = array<i64: 8, 128>}, {pipeline_mode = #tpu.pipeline_mode<synchronous>, transform_indices = @transform_5, window_bounds = array<i64: 128, 128>}, {transform_indices = @transform_6, window_bounds = array<i64: 1024, 128>}]} {
    %get3A = arith.constant 0 : index
    %get3A_0 = arith.constant 0 : index
    %get3A_1 = arith.constant 0 : index
    %get3A_2 = vector.load %arg2[%get3A, %get3A_0, %get3A_1] : memref<1x1024x8xf32, #tpu.memory_space<vmem>>, vector<1x1024x1xf32>
    %get3A_3 = vector.shape_cast %get3A_2 : vector<1x1024x1xf32> to vector<1024x1xf32>
    %max3A = arith.constant 1.000000e+00 : f32
    %max3A_4 = vector.broadcast %max3A : f32 to vector<1024x1xf32>
    %max3A_5 = arith.maximumf %get3A_3, %max3A_4 : vector<1024x1xf32>
    %get3A_6 = arith.constant 0 : index
    %get3A_7 = arith.constant 0 : index
    %get3A_8 = vector.load %arg5[%get3A_6, %get3A_7] : memref<8x128xf32, #tpu.memory_space<vmem>>, vector<1x128xf32>
    %get3A_9 = arith.constant 0 : index
    %get3A_10 = arith.constant 0 : index
    %get3A_11 = arith.constant 0 : index
    %get3A_12 = vector.load %arg1[%get3A_9, %get3A_10, %get3A_11] : memref<2x1024x64xf32, #tpu.memory_space<vmem>>, vector<1x1024x64xf32>
    %get3A_13 = vector.shape_cast %get3A_12 : vector<1x1024x64xf32> to vector<1024x64xf32>
    %div3A = vector.broadcast %max3A_5 : vector<1024x1xf32> to vector<1024x64xf32>
    %div3A_14 = arith.divf %get3A_13, %div3A : vector<1024x64xf32>
    %get3A_15 = arith.constant 0 : index
    %get3A_16 = arith.constant 0 : index
    %get3A_17 = vector.load %arg4[%get3A_15, %get3A_16] : memref<128x128xf32, #tpu.memory_space<vmem>>, vector<64x128xf32>
    %dot_general3A = arith.constant dense<0.000000e+00> : vector<1024x128xf32>
    %dot_general3A_18 = tpu.matmul %div3A_14, %get3A_17, %dot_general3A {dimension_numbers = #tpu.dot_dimension_numbers<[1], [0], [0], [1], [0, 0, 1, 1], [], []>, precision = #tpu.contract_precision<fp32>, transpose_lhs_hint = false} : vector<1024x64xf32>, vector<64x128xf32>, vector<1024x128xf32> -> vector<1024x128xf32>
    %add3A = vector.broadcast %get3A_8 : vector<1x128xf32> to vector<1024x128xf32>
    %add3A_19 = arith.addf %add3A, %dot_general3A_18 : vector<1024x128xf32>
    %get3A_20 = arith.constant 0 : index
    %get3A_21 = arith.constant 0 : index
    %get3A_22 = arith.constant 0 : index
    %get3A_23 = vector.load %arg3[%get3A_20, %get3A_21, %get3A_22] : memref<2x1024x64xf32, #tpu.memory_space<vmem>>, vector<1x1024x64xf32>
    %get3A_24 = vector.shape_cast %get3A_23 : vector<1x1024x64xf32> to vector<1024x64xf32>
    %get3A_25 = arith.constant 0 : index
    %get3A_26 = arith.constant 0 : index
    %get3A_27 = vector.load %arg6[%get3A_25, %get3A_26] : memref<128x128xf32, #tpu.memory_space<vmem>>, vector<64x128xf32>
    %dot_general3A_28 = arith.constant dense<0.000000e+00> : vector<1024x128xf32>
    %dot_general3A_29 = tpu.matmul %get3A_24, %get3A_27, %dot_general3A_28 {dimension_numbers = #tpu.dot_dimension_numbers<[1], [0], [0], [1], [0, 0, 1, 1], [], []>, precision = #tpu.contract_precision<fp32>, transpose_lhs_hint = false} : vector<1024x64xf32>, vector<64x128xf32>, vector<1024x128xf32> -> vector<1024x128xf32>
    %add3A_30 = arith.addf %add3A_19, %dot_general3A_29 : vector<1024x128xf32>
    %get3A_31 = arith.constant 1 : index
    %get3A_32 = arith.constant 0 : index
    %get3A_33 = arith.constant 0 : index
    %get3A_34 = vector.load %arg1[%get3A_31, %get3A_32, %get3A_33] : memref<2x1024x64xf32, #tpu.memory_space<vmem>>, vector<1x1024x64xf32>
    %get3A_35 = vector.shape_cast %get3A_34 : vector<1x1024x64xf32> to vector<1024x64xf32>
    %div3A_36 = vector.broadcast %max3A_5 : vector<1024x1xf32> to vector<1024x64xf32>
    %div3A_37 = arith.divf %get3A_35, %div3A_36 : vector<1024x64xf32>
    %get3A_38 = arith.constant 64 : index
    %get3A_39 = arith.constant 0 : index
    %get3A_40 = vector.load %arg4[%get3A_38, %get3A_39] : memref<128x128xf32, #tpu.memory_space<vmem>>, vector<64x128xf32>
    %dot_general3A_41 = arith.constant dense<0.000000e+00> : vector<1024x128xf32>
    %dot_general3A_42 = tpu.matmul %div3A_37, %get3A_40, %dot_general3A_41 {dimension_numbers = #tpu.dot_dimension_numbers<[1], [0], [0], [1], [0, 0, 1, 1], [], []>, precision = #tpu.contract_precision<fp32>, transpose_lhs_hint = false} : vector<1024x64xf32>, vector<64x128xf32>, vector<1024x128xf32> -> vector<1024x128xf32>
    %add3A_43 = arith.addf %add3A_30, %dot_general3A_42 : vector<1024x128xf32>
    %get3A_44 = arith.constant 1 : index
    %get3A_45 = arith.constant 0 : index
    %get3A_46 = arith.constant 0 : index
    %get3A_47 = vector.load %arg3[%get3A_44, %get3A_45, %get3A_46] : memref<2x1024x64xf32, #tpu.memory_space<vmem>>, vector<1x1024x64xf32>
    %get3A_48 = vector.shape_cast %get3A_47 : vector<1x1024x64xf32> to vector<1024x64xf32>
    %get3A_49 = arith.constant 64 : index
    %get3A_50 = arith.constant 0 : index
    %get3A_51 = vector.load %arg6[%get3A_49, %get3A_50] : memref<128x128xf32, #tpu.memory_space<vmem>>, vector<64x128xf32>
    %dot_general3A_52 = arith.constant dense<0.000000e+00> : vector<1024x128xf32>
    %dot_general3A_53 = tpu.matmul %get3A_48, %get3A_51, %dot_general3A_52 {dimension_numbers = #tpu.dot_dimension_numbers<[1], [0], [0], [1], [0, 0, 1, 1], [], []>, precision = #tpu.contract_precision<fp32>, transpose_lhs_hint = false} : vector<1024x64xf32>, vector<64x128xf32>, vector<1024x128xf32> -> vector<1024x128xf32>
    %add3A_54 = arith.addf %add3A_43, %dot_general3A_53 : vector<1024x128xf32>
    %swap3A = arith.constant 0 : index
    %swap3A_55 = arith.constant 0 : index
    %swap3A_56 = vector.load %arg7[%swap3A, %swap3A_55] : memref<1024x128xf32, #tpu.memory_space<vmem>>, vector<1024x128xf32>
    tpu.vector_store %arg7[%swap3A, %swap3A_55], %add3A_54 {strides = array<i32>} : memref<1024x128xf32, #tpu.memory_space<vmem>>, vector<1024x128xf32>,
    return
  }
  func.func @transform_0(%arg0: i32) -> (i32, i32, i32) {
    %c0_i32 = arith.constant 0 : i32
    %c0_i32_0 = arith.constant 0 : i32
    %c0_i32_1 = arith.constant 0 : i32
    return %c0_i32, %arg0, %c0_i32_0 : i32, i32, i32
  }
  func.func @transform_1(%arg0: i32) -> (i32, i32, i32) {
    %c0_i32 = arith.constant 0 : i32
    %c0_i32_0 = arith.constant 0 : i32
    %c0_i32_1 = arith.constant 0 : i32
    return %c0_i32, %arg0, %c0_i32_0 : i32, i32, i32
  }
  func.func @transform_2(%arg0: i32) -> (i32, i32, i32) {
    %c0_i32 = arith.constant 0 : i32
    %c0_i32_0 = arith.constant 0 : i32
    %c0_i32_1 = arith.constant 0 : i32
    return %c0_i32, %arg0, %c0_i32_0 : i32, i32, i32
  }
  func.func @transform_3(%arg0: i32) -> (i32, i32) {
    %c0_i32 = arith.constant 0 : i32
    %c0_i32_0 = arith.constant 0 : i32
    %c0_i32_1 = arith.constant 0 : i32
    return %c0_i32, %c0_i32_0 : i32, i32
  }
  func.func @transform_4(%arg0: i32) -> (i32, i32) {
    %c0_i32 = arith.constant 0 : i32
    %c0_i32_0 = arith.constant 0 : i32
    %c0_i32_1 = arith.constant 0 : i32
    return %c0_i32, %c0_i32_0 : i32, i32
  }
  func.func @transform_5(%arg0: i32) -> (i32, i32) {
    %c0_i32 = arith.constant 0 : i32
    %c0_i32_0 = arith.constant 0 : i32
    %c0_i32_1 = arith.constant 0 : i32
    return %c0_i32, %c0_i32_0 : i32, i32
  }
  func.func @transform_6(%arg0: i32) -> (i32, i32) {
    %c0_i32 = arith.constant 0 : i32
    %c0_i32_0 = arith.constant 0 : i32
    return %arg0, %c0_i32 : i32, i32
  }
}

</mosaic_0001>

<sc_bundles>
// kernel: kernel.6.cloned.1.call-start
scs
__scs_entry_jumppad:
0x0: {  	(pc) =	sbr.rel $0x88, $3  }
0x1: {  	(tag) =	ssettag $0x0;
	lr =	simm.s32 $0x1  }
0x2: {  	[smem:$0x3F99] =	sst lr;
	_ =	strace $0xD0000000  }
0x3: {  	_ = 	snop  }
0x4: {  	_ = 	snop  }
0x5: {  	_ = 	snop  }
0x6: {  	_ = 	snop  }
0x7: {  	_ = 	snop  }
__scs_overlays_trampoline_lowered:
0x8: {  	[smem:$0x3FA8] =	sst s0  }
0x9: {  	[smem:$0x3FA9] =	sst s1  }
0xa: {  	[smem:$0x3FAA] =	sst s2  }
0xb: {  	[smem:$0x3FAB] =	sst s3  }
0xc: {  	[smem:$0x3FAC] =	sst s4  }
0xd: {  	[smem:$0x3FAD] =	sst s5  }
0xe: {  	[smem:$0x3FAE] =	sst s6  }
0xf: {  	[smem:$0x3FAF] =	sst s7  }
0x10: {  	[smem:$0x3FB0] =	sst s8  }
0x11: {  	[smem:$0x3FB1] =	sst s9;
	s0 =	simm.s32 @!p0 $0x0  }
0x12: {  	s1 =	sld [smem:$0x3F97];
	s0 =	simm.s32 @p0 $0x1  }
0x13: {  	[smem:$0x3FB2] =	sst s0;
	s0 =	simm.s32 @!p1 $0x0  }
0x14: {  	s2 =	sld [smem:$0x3F96];
	s0 =	simm.s32 @p1 $0x1  }
0x15: {  	[smem:$0x3FB3] =	sst s0;
	s0 =	simm.s32 @!p2 $0x0  }
0x16: {  	s3 =	sld [smem:$0x3FDB];
	s0 =	simm.s32 @p2 $0x1  }
0x17: {  	s4 =	simm.s32 $0x1BF5;
	[smem:$0x3FB5] =	sst s0  }
0x18: {  	s0 =	sld [smem:$0x3F98];
	_ =	swait.ge [sflag:s4], $0x0  }
0x19: {  	s7 =	sld [smem:$0x3F99]  }
0x1a: {  	s8 =	sadd.s32 $0xFFFFE003, lr  }
0x1b: {  	s9 =	sadd.s32 $0xFFFFFEF7, lr;
	s5 =	simm.s32 $0xFFFFFFFF;
	p2 =	slt.u32 s8, $0xFFFFF086  }
0x1c: {  	p1 =	slt.u32 s9, $0xF7A;
	s5 =	simm.s32 @!p2 $0x0  }
0x1d: {  	s5 =	simm.s32 @p1 $0x1;
	p0 =	seq.s32 s7, s2  }
0x1e: {  	s7 =	smul.u32 @!p0 $0xF7A, s2;
	p2 =	seq.s32 @!p0 s5, $0x0  }
0x1f: {  	s9 =	smul.u32 $0xF7A, s1;
	s8 =	simm.s32 @!p0 $0x1BF5;
	p2 =	por !p2, p0  }
0x20: {  	[sflag:s8] =	ssyncset.s32 @!p0 $0xFFFFF086;
	s6 =	sadd.s32 @!p0 s3, s7;
	s7 =	simm.s32 @!p0 $0x108  }
0x21: {  	s3 =	sadd.s32 s3, s9;
	s6 =	sadd.s32 @!p0 $0x88, s6;
	s7 =	simm.s32 @p2 $0x1082  }
0x22: {  	[simem:s7], [sflag:s8] =	dma.local @!p0 [hbm:s6], $0xF7A  }
0x23: {  	s9 =	sor.u32 $0xD0000000, s2;
	s6 =	simm.s32 $0x108;
	_ =	swait.ge @!p0 [sflag:s8], $0x0  }
0x24: {  	s3 =	sadd.s32 $0x88, s3;
	s6 =	simm.s32 @!p1 $0x1082;
	[sflag:s4] =	ssyncset.s32 $0xFFFFF086  }
0x25: {  	[simem:s6], [sflag:s4] =	dma.local [hbm:s3], $0xF7A  }
0x26: {  	[smem:$0x3F99] =	sst s1;
	(tag) =	ssettag s2;
	_ =	strace s9  }
0x27: {  	s1 =	sld [smem:$0x3FA9]  }
0x28: {  	s2 =	sld [smem:$0x3FAA]  }
0x29: {  	s4 =	sld [smem:$0x3FAC]  }
0x2a: {  	p0 =	seq.s32 s5, $0x0;
	s5 =	sld [smem:$0x3FAD]  }
0x2b: {  	s6 =	sld [smem:$0x3FAE]  }
0x2c: {  	s7 =	sld [smem:$0x3FAF]  }
0x2d: {  	s3 =	simm.s32 $0x108;
	s8 =	sld [smem:$0x3FB0]  }
0x2e: {  	s3 =	simm.s32 @!p0 $0x1082;
	s9 =	sld [smem:$0x3FB1]  }
0x2f: {  	lr =	sadd.s32 s0, s3;
	s0 =	sld [smem:$0x3FA8]  }
0x30: {  	s3 =	sld [smem:$0x3FAB]  }
0x31: {  	[smem:$0x3FB4] =	sst s10  }
0x32: {  	s10 =	sld [smem:$0x3FB2];
	_ =	sdelay $0x3  }
0x33: {  	p0 =	seq.s32 s10, $0x1;
	s10 =	sld [smem:$0x3FB4];
	_ =	sdelay $0x3  }
0x34: {  	[smem:$0x3FB4] =	sst s10  }
0x35: {  	s10 =	sld [smem:$0x3FB3];
	_ =	sdelay $0x3  }
0x36: {  	p1 =	seq.s32 s10, $0x1;
	s10 =	sld [smem:$0x3FB4];
	_ =	sdelay $0x3  }
0x37: {  	[smem:$0x3FB4] =	sst s10  }
0x38: {  	s10 =	sld [smem:$0x3FB5]  }
0x39: {  	_ = 	snop;
	(pc) =	sbr.ind lr, $3  }
0x3a: {  	_ = 	snop  }
0x3b: {  	_ = 	snop  }
0x3c: {  	p2 =	seq.s32 s10, $0x1;
	s10 =	sld [smem:$0x3FB4]  }
0x3d: {  	_ =	shalt  }
0x3e: {  	_ =	shalt  }
0x3f: {  	_ =	shalt  }
0x40: {  	_ =	shalt  }
0x41: {  	_ =	shalt  }
0x42: {  	_ =	shalt  }
0x43: {  	_ =	shalt  }
0x44: {  	_ =	shalt  }
0x45: {  	_ =	shalt  }
0x46: {  	_ =	shalt  }
0x47: {  	_ =	shalt  }
0x48: {  	_ =	shalt  }
0x49: {  	_ =	shalt  }
0x4a: {  	_ =	shalt  }
0x4b: {  	_ =	shalt  }
0x4c: {  	_ =	shalt  }
0x4d: {  	_ =	shalt  }
0x4e: {  	_ =	shalt  }
0x4f: {  	_ =	shalt  }
0x50: {  	_ =	shalt  }
0x51: {  	_ =	shalt  }
0x52: {  	_ =	shalt  }
0x53: {  	_ =	shalt  }
0x54: {  	_ =	shalt  }
0x55: {  	_ =	shalt  }
0x56: {  	_ =	shalt  }
0x57: {  	_ =	shalt  }
0x58: {  	_ =	shalt  }
0x59: {  	_ =	shalt  }
0x5a: {  	_ =	shalt  }
0x5b: {  	_ =	shalt  }
0x5c: {  	_ =	shalt  }
0x5d: {  	_ =	shalt  }
0x5e: {  	_ =	shalt  }
0x5f: {  	_ =	shalt  }
0x60: {  	_ =	shalt  }
0x61: {  	_ =	shalt  }
0x62: {  	_ =	shalt  }
0x63: {  	_ =	shalt  }
0x64: {  	_ =	shalt  }
0x65: {  	_ =	shalt  }
0x66: {  	_ =	shalt  }
0x67: {  	_ =	shalt  }
0x68: {  	_ =	shalt  }
0x69: {  	_ =	shalt  }
0x6a: {  	_ =	shalt  }
0x6b: {  	_ =	shalt  }
0x6c: {  	_ =	shalt  }
0x6d: {  	_ =	shalt  }
0x6e: {  	_ =	shalt  }
0x6f: {  	_ =	shalt  }
0x70: {  	_ =	shalt  }
0x71: {  	_ =	shalt  }
0x72: {  	_ =	shalt  }
0x73: {  	_ =	shalt  }
0x74: {  	_ =	shalt  }
0x75: {  	_ =	shalt  }
0x76: {  	_ =	shalt  }
0x77: {  	_ =	shalt  }
0x78: {  	_ =	shalt  }
0x79: {  	_ =	shalt  }
0x7a: {  	_ =	shalt  }
0x7b: {  	_ =	shalt  }
0x7c: {  	_ =	shalt  }
0x7d: {  	_ =	shalt  }
0x7e: {  	_ =	shalt  }
0x7f: {  	_ =	shalt  }
0x80: {  	_ =	shalt  }
0x81: {  	_ =	shalt  }
0x82: {  	_ =	shalt  }
0x83: {  	_ =	shalt  }
0x84: {  	_ =	shalt  }
0x85: {  	_ =	shalt  }
0x86: {  	_ =	shalt  }
0x87: {  	_ =	shalt  }
.Lfunc_end0:
.L_simem_size_0:
called_computation_lowered:
.L_overlay_start_0:
0x88: {  	s2 =	sld [smem:$0x3FD9]  }
0x89: {  	s3 =	sld [smem:$0x3FFE];
	_ =	sdelay $0x1  }
0x8a: {  	s1 =	srdreg.scid  }
0x8b: {  	s0 =	sand.u32 $0x1, s1  }
0x8c: {  	s17 =	sshll.u32 s0, $0xA;
	s2 =	sadd.s32 s3, s2  }
0x8d: {  	s2 =	sadd.s32 s2, s17  }
0x8e: {  	[smem:$0x3FC0] =	sst s2  }
0x8f: {  	_ = 	snop  }
0x90: {  	s2 =	sld [smem:$0x3FD0];
	(tm) =	ssettm $0x1  }
0x91: {  	s18 =	sld [smem:$0x3FFB];
	_ =	sdelay $0x3  }
0x92: {  	_ =	strace s18  }
0x93: {  	s3 =	sld [smem:$0x3FFC];
	_ =	sdelay $0x3  }
0x94: {  	_ =	strace s3  }
0x95: {  	s3 =	sld [smem:$0x3FFD];
	_ =	sdelay $0x3  }
0x96: {  	_ =	strace s3  }
0x97: {  	_ =	strace $0x8FFFFFFF  }
0x98: {  	s19 =	sld [smem:$0x3FDB];
	_ =	sdelay $0x1  }
0x99: {  	s4 =	simm.s32 $_scs_section_size  }
0x9a: {  	s5 =	simm.s32 $_size__tile_overlayer_lowered;
	s6 =	simm.s32 $_tile_overlayer_lowered  }
0x9b: {  	s22 =	simm.s32 $0x1BFF;
	s21 =	sshll.u32 s6, $0x1;
	s3 =	sadd.s32 s4, s19  }
0x9c: {  	s7 =	simm.s32 $0x0;
	s20 =	sshll.u32 s5, $0x1;
	s5 =	sadd.s32 s21, s3  }
0x9d: {  	[timem:s7], [sflag:s22] =	dma.local [hbm:s5], s20  }
0x9e: {  	_ =	swait.ge [sflag:s22], s20  }
0x9f: {  	s4 =	ssub.s32 $0x0, s20;
	[sflag:s22] =	ssyncset.done $0x0  }
0xa0: {  	[sflag:s22] =	ssyncadd.s32 s4;
	_ =	sdelay $0x1  }
0xa1: {  	s23 =	simm.s32 $0x1B8B  }
0xa2: {  	_ =	swait.ge [sflag:s23], $0x1  }
0xa3: {  	[sflag:s23] =	ssyncset.done $0x0  }
0xa4: {  	s25 =	simm.s32 $0x1B8E;
	s24 =	sld [smem:$0x3FFE];
	[sflag:s23] =	ssyncadd.s32 $0xFFFFFFFF  }
0xa5: {  	s26 =	simm.s32 $execute0_lowered;
	[smem:$0x3FD2] =	sst s25  }
0xa6: {  	s5 =	sshll.u32 s26, $0x1;
	_ =	strace $0x80000046;
	[dreg:$0x1] =	wrdreg $0xFFFFFFFF  }
0xa7: {  	s28 =	simm.s32 $_size_execute0_lowered;
	s3 =	sadd.s32 s3, s5;
	[dreg:$0x0] =	wrdreg $0x0  }
0xa8: {  	s5 =	sshll.u32 s28, $0x1;
	[dreg:$0x2] =	wrdreg s3  }
0xa9: {  	[dreg:$0x3] =	wrdreg s5  }
0xaa: {  	[dreg:$0x4] =	wrdreg $0xC0  }
0xab: {  	_ =	task [dreg:s7], $0x5FFFF  }
0xac: {  	[dreg:$0x1] =	wrdreg $0xFFFFFFFF  }
0xad: {  	[dreg:$0x0] =	wrdreg $0x60  }
0xae: {  	[dreg:$0x2] =	wrdreg s24  }
0xaf: {  	[dreg:$0x3] =	wrdreg s2  }
0xb0: {  	[dreg:$0x4] =	wrdreg $0x106000  }
0xb1: {  	[dreg:$0x5] =	wrdreg $0x1A6000  }
0xb2: {  	[dreg:$0x6] =	wrdreg $0x9  }
0xb3: {  	_ =	task.clear_ibuf [dreg:s7], $0x7FFFF;
	_ =	strace $0x90000046  }
0xb4: {  	s29 =	simm.s32 $0x9;
	_ =	strace $0x80000048  }
0xb5: {  	_ =	swait.ge [sflag:s29], $0x1  }
0xb6: {  	[sflag:s29] =	ssyncadd.s32 $0xFFFFFFFF  }
0xb7: {  	_ =	strace $0x90000048  }
0xb8: {  	_ =	sfence  }
0xb9: {  	s30 =	sld [smem:$0x0];
	_ =	sdelay $0x2  }
0xba: {  	s31 =	sshll.u32 s1, $0xD;
	s1 =	sshrl.u32 s1, $0x2  }
0xbb: {  	s3 =	sand.u32 $0x4000, s31;
	s1 =	sadd.s32 s1, s30  }
0xbc: {  	s0 =	sor.u32 s3, s0;
	s1 =	sshll.u32 s1, $0x11  }
0xbd: {  	s0 =	sor.u32 s1, s0  }
0xbe: {  	s0 =	sadd.s32 $0x8F2B, s0  }
0xbf: {  	[sflag:s0] =	ssyncadd.remote.s32 $0x1  }
0xc0: {  	_ =	sfence.sel $0xFFFF  }
0xc1: {  	[dreg:$0x0] =	wrdreg $0xFFFFFFFF;
	(pc) =	sbr.abs _section_cstart, $3  }
0xc2: {  	[dreg:$0x1] =	wrdreg $0xFFFFFFFF  }
0xc3: {  	_ =	task.clear_ibuf [dreg:s7], $0x2FFFF;
	_ =	strace $0x9FFFFFFF  }
0xc4: {  	(tm) =	ssettm $0x7FFFFFFF  }
0xc5: {  	_ =	shalt  }
tec
execute0_lowered:
.L_overlay_start_1:
0x0: {  	(tag) =	ssettag $0x1  }
0x1: {  	s3 =	rddreg [dreg:$0x0]  }
0x2: {  	s0 =	srdreg.scid;
	s5 =	rddreg [dreg:$0x1]  }
0x3: {  	s11 =	stileid.u32;
	s1 =	rddreg [dreg:$0x2];
	s2 =	simm.s32 $0x0  }
0x4: {  	s4 =	sand.u32 $0x1, s0;
	[smem:$0x7FF] =	sst s2;
	s9 =	smul.u32 $0x280, s11  }
0x5: {  	s7 =	sadd.s32 $0x93400, s3;
	s10 =	sadd.s32 $0x8E400, s3;
	s12 =	smul.u32 $0xA0000, s4  }
0x6: {  	s0 =	sshll.u32 s4, $0x4;
	s20 =	ssub.s32 $0x2, s4;
	s4 =	smul.u32 $0x14000, s4  }
0x7: {  	s0 =	sor.u32 s11, s0;
	s8 =	sshrl.u32 s20, $0x1;
	s13 =	sadd.s32 $0x80, s9  }
0x8: {  	s14 =	sadd.s32 $0x100, s9;
	s28 =	sadd.s32 $0x180, s9;
	s6 =	smul.u32 $0x9E0, s0  }
0x9: {  	s9 =	sadd.s32 $0x200, s9;
	s0 =	ssub.s32 s20, s8;
	s8 =	smul.u32 $0xA000, s11  }
0xa: {  	s11 =	smul.u32 $0x1400, s11;
	s15 =	sshll.u32 s13, $0x6;
	s24 =	sshll.u32 s14, $0x6  }
0xb: {  	s26 =	sshll.u32 s28, $0x6;
	s29 =	sshll.u32 s9, $0x6;
	s20 =	sadd.s32 s10, s13  }
0xc: {  	s18 =	sadd.s32 s12, s15;
	s23 =	sadd.s32 s12, s24;
	s25 =	sadd.s32 s12, s26  }
0xd: {  	s24 =	sadd.s32 s24, s1;
	s26 =	sadd.s32 s26, s1;
	s31 =	smax.u32 s0, $0x1  }
0xe: {  	s0 =	simm.s32 $0xDE00;
	s16 =	sadd.s32 s8, s12;
	s17 =	sadd.s32 s11, s4  }
0xf: {  	s22 =	sshrl.u32 s18, $0x3;
	s4 =	sshrl.u32 s4, $0x3;
	s12 =	sadd.s32 s12, s29  }
0x10: {  	s19 =	sshrl.u32 s25, $0x3;
	s25 =	sadd.s32 s10, s9;
	s5 =	sadd.s32 s5, s6  }
0x11: {  	s6 =	sadd.s32 s6, s3;
	s18 =	sshll.u32 s28, $0x3;
	s29 =	sadd.s32 s29, s1  }
0x12: {  	s16 =	sshrl.u32 s16, $0x3;
	s21 =	sshrl.u32 s17, $0x3;
	s17 =	sadd.s32 s7, s22  }
0x13: {  	s12 =	sshrl.u32 s12, $0x3;
	s16 =	sadd.s32 s7, s16;
	[dreg:$0x6] =	wrdreg s17  }
0x14: {  	s17 =	sshrl.u32 s23, $0x3;
	s21 =	sadd.s32 s10, s21;
	[dreg:$0x5] =	wrdreg s16  }
0x15: {  	s22 =	sadd.s32 s10, s14;
	s17 =	sadd.s32 s7, s17;
	[dreg:$0xa] =	wrdreg s21  }
0x16: {  	s23 =	sadd.s32 s10, s28;
	s10 =	sadd.s32 $0x7A200, s6;
	[dreg:$0x7] =	wrdreg s17  }
0x17: {  	s17 =	sadd.s32 s7, s19;
	s7 =	sadd.s32 s7, s12;
	s12 =	rddreg [dreg:$0x3]  }
0x18: {  	s6 =	simm.s32 $0x9E00;
	s16 =	sadd.s32 $0x52200, s3;
	[dreg:$0x8] =	wrdreg s17  }
0x19: {  	s19 =	sshll.u32 s9, $0x3;
	s9 =	simm.s32 $0x2;
	[dreg:$0x9] =	wrdreg s7  }
0x1a: {  	s7 =	sadd.s32 s4, s20;
	s20 =	sadd.s32 s8, s1;
	s21 =	sadd.s32 s11, s12  }
0x1b: {  	s17 =	sshll.u32 s14, $0x3;
	s28 =	sadd.s32 s18, s12;
	s30 =	sadd.s32 s19, s12  }
0x1c: {  	s8 =	simm.s32 $0x1;
	[dreg:$0xb] =	wrdreg s7;
	s7 =	sadd.s32 s4, s22  }
0x1d: {  	s11 =	simm.s32 $0x9D00;
	[dreg:$0xc] =	wrdreg s7;
	s7 =	sadd.s32 s4, s23  }
0x1e: {  	s14 =	simm.s32 $0x0;
	s4 =	sadd.s32 s4, s25;
	[dreg:$0xd] =	wrdreg s7  }
0x1f: {  	s22 =	sadd.s32 s15, s1;
	s15 =	sshll.u32 s13, $0x3;
	[dreg:$0xe] =	wrdreg s4  }
0x20: {  	s7 =	sadd.s32 $0x8E000, s3;
	_ =	strace $0x80000047;
	[dreg:$0xf] =	wrdreg s5  }
0x21: {  	s13 =	simm.s32 $0x9D80;
	s3 =	sadd.s32 $0x8DE00, s3;
	[dreg:$0x10] =	wrdreg s7  }
0x22: {  	s23 =	sadd.s32 s15, s12;
	s25 =	sadd.s32 s17, s12;
	[dreg:$0x11] =	wrdreg s3  }
0x23: {  	s4 =	simm.s32 $0x10200;
	[dreg:$0x12] =	wrdreg s10;
	s10 =	simm.s32 $0x3  }
0x24: {  	s3 =	simm.s32 $0xFE00;
	s5 =	simm.s32 $0x80;
	s7 =	simm.s32 $0xBE00  }
.LBB2_1:
0x25: {  	s15 =	rddreg [dreg:$0xf]  }
0x26: {  	[tilespmem:s2], [sflag:$0x3] =	stream.linear.gather [hbm4b:s15+s2], $0x4F00, $0x38;
	[tilespmem:$0x1BA00] =	vst v63  }
0x27: {  	_ =	swait.ge [sflag:s10], $0x4F00  }
0x28: {  	[sflag:s10] =	ssyncset.done $0x0  }
0x29: {  	s17 =	simm.s32 $0x4F00;
	s18 =	rddreg [dreg:$0x12];
	[sflag:s10] =	ssyncadd.s32 $0xFFFFB100  }
0x2a: {  	[tilespmem:s17], [sflag:$0x3] =	stream.linear.gather [hbm4b:s18+s2], $0x4F00, $0x38;
	[tilespmem:$0x1BA00] =	vst v63  }
0x2b: {  	_ =	swait.ge [sflag:s10], $0x4F00  }
0x2c: {  	[sflag:s10] =	ssyncset.done $0x0  }
0x2d: {  	s19 =	rddreg [dreg:$0x10];
	[sflag:s10] =	ssyncadd.s32 $0xFFFFB100  }
0x2e: {  	[tilespmem:s0], [sflag:$0x3] =	stream.linear.gather [hbm4b:s19+s2], $0x2000, $0x38;
	[tilespmem:$0x1BA00] =	vst v63  }
0x2f: {  	_ =	swait.ge [sflag:s10], $0x2000  }
0x30: {  	[sflag:s10] =	ssyncset.done $0x0  }
0x31: {  	s17 =	rddreg [dreg:$0x11];
	[sflag:s10] =	ssyncadd.s32 $0xFFFFE000  }
0x32: {  	[tilespmem:s3], [sflag:$0x3] =	stream.linear.gather [hbm4b:s17+s2], $0x800, $0x38;
	[tilespmem:$0x1BA00] =	vst v63  }
0x33: {  	_ =	swait.ge [sflag:s10], $0x800  }
0x34: {  	[sflag:s10] =	ssyncset.done $0x0  }
0x35: {  	[sflag:s10] =	ssyncadd.s32 $0xFFFFF800  }
0x36: {  	[spmem:s20] =	stream.linear.scatter [tilespmem:s0], [sflag:$0x3], $0x2000, $0x38;
	[tilespmem:$0x1BA00] =	vst v63  }
0x37: {  	_ =	swait.ge [sflag:s10], $0x2000  }
0x38: {  	[sflag:s10] =	ssyncset.done $0x0  }
0x39: {  	[sflag:s10] =	ssyncadd.s32 $0xFFFFE000  }
0x3a: {  	[spmem:s21] =	stream.linear.scatter [tilespmem:s4], [sflag:$0x3], $0x400, $0x38;
	[tilespmem:$0x1BA00] =	vst v63  }
0x3b: {  	_ =	swait.ge [sflag:s10], $0x400  }
0x3c: {  	[sflag:s10] =	ssyncset.done $0x0  }
0x3d: {  	[sflag:s10] =	ssyncadd.s32 $0xFFFFFC00  }
0x3e: {  	[spmem:s22] =	stream.linear.scatter [tilespmem:s0], [sflag:$0x3], $0x2000, $0x38;
	[tilespmem:$0x1BA00] =	vst v63  }
0x3f: {  	_ =	swait.ge [sflag:s10], $0x2000  }
0x40: {  	[sflag:s10] =	ssyncset.done $0x0  }
0x41: {  	[sflag:s10] =	ssyncadd.s32 $0xFFFFE000  }
0x42: {  	[spmem:s23] =	stream.linear.scatter [tilespmem:s4], [sflag:$0x3], $0x400, $0x38;
	[tilespmem:$0x1BA00] =	vst v63  }
0x43: {  	_ =	swait.ge [sflag:s10], $0x400  }
0x44: {  	[sflag:s10] =	ssyncset.done $0x0  }
0x45: {  	[sflag:s10] =	ssyncadd.s32 $0xFFFFFC00  }
0x46: {  	[spmem:s24] =	stream.linear.scatter [tilespmem:s0], [sflag:$0x3], $0x2000, $0x38;
	[tilespmem:$0x1BA00] =	vst v63  }
0x47: {  	_ =	swait.ge [sflag:s10], $0x2000  }
0x48: {  	[sflag:s10] =	ssyncset.done $0x0  }
0x49: {  	[sflag:s10] =	ssyncadd.s32 $0xFFFFE000  }
0x4a: {  	[spmem:s25] =	stream.linear.scatter [tilespmem:s4], [sflag:$0x3], $0x400, $0x38;
	[tilespmem:$0x1BA00] =	vst v63  }
0x4b: {  	_ =	swait.ge [sflag:s10], $0x400  }
0x4c: {  	[sflag:s10] =	ssyncset.done $0x0  }
0x4d: {  	[sflag:s10] =	ssyncadd.s32 $0xFFFFFC00  }
0x4e: {  	[spmem:s26] =	stream.linear.scatter [tilespmem:s0], [sflag:$0x3], $0x2000, $0x38;
	[tilespmem:$0x1BA00] =	vst v63  }
0x4f: {  	_ =	swait.ge [sflag:s10], $0x2000  }
0x50: {  	[sflag:s10] =	ssyncset.done $0x0  }
0x51: {  	[sflag:s10] =	ssyncadd.s32 $0xFFFFE000  }
0x52: {  	[spmem:s28] =	stream.linear.scatter [tilespmem:s4], [sflag:$0x3], $0x400, $0x38;
	[tilespmem:$0x1BA00] =	vst v63  }
0x53: {  	_ =	swait.ge [sflag:s10], $0x400  }
0x54: {  	[sflag:s10] =	ssyncset.done $0x0  }
0x55: {  	[sflag:s10] =	ssyncadd.s32 $0xFFFFFC00  }
0x56: {  	[spmem:s29] =	stream.linear.scatter [tilespmem:s0], [sflag:$0x3], $0x2000, $0x38;
	[tilespmem:$0x1BA00] =	vst v63  }
0x57: {  	_ =	swait.ge [sflag:s10], $0x2000  }
0x58: {  	[sflag:s10] =	ssyncset.done $0x0  }
0x59: {  	[sflag:s10] =	ssyncadd.s32 $0xFFFFE000  }
0x5a: {  	[spmem:s30] =	stream.linear.scatter [tilespmem:s4], [sflag:$0x3], $0x400, $0x38;
	[tilespmem:$0x1BA00] =	vst v63  }
0x5b: {  	_ =	swait.ge [sflag:s10], $0x400  }
0x5c: {  	[sflag:s10] =	ssyncset.done $0x0  }
0x5d: {  	[sflag:s10] =	ssyncadd.s32 $0xFFFFFC00  }
0x5e: {  	[bflag:$0x0] =	sbarrier.arrive $0xFFFF  }
0x5f: {  	[tilespmem:s6], [sflag:$0x1] =	stream.indirect.gather [hbm4b:s16+s5], $0x40, s2, s5, $0xb8;
	[tilespmem:$0x1BA00] =	vst v63  }
0x60: {  	_ = 	snop  }
0x61: {  	[tilespmem:s7], [sflag:$0x2] =	stream.indirect.gather [hbm4b:s16+s5], $0x40, s5, s5, $0xb8;
	[tilespmem:$0x1BA00] =	vst v63  }
0x62: {  	_ =	swait.ge [sflag:s8], $0x2000  }
0x63: {  	[sflag:s8] =	ssyncset.done $0x0  }
0x64: {  	s18 =	simm.s32 $0x4F00;
	[sflag:s8] =	ssyncadd.s32 $0xFFFFE000  }
0x65: {  	[spmem:s1] =	stream.indirect.scatter.add.f32 [tilespmem:s6], [sflag:$0x3], $0x40, s18, s5, $0xb8;
	[tilespmem:$0x1BA00] =	vst v63  }
0x66: {  	_ =	swait.ge [sflag:s10], $0x2000  }
0x67: {  	[sflag:s10] =	ssyncset.done $0x0  }
0x68: {  	s19 =	simm.s32 $0x100;
	[sflag:s10] =	ssyncadd.s32 $0xFFFFE000  }
0x69: {  	[tilespmem:s6], [sflag:$0x1] =	stream.indirect.gather [hbm4b:s16+s5], $0x40, s19, s5, $0xb8;
	[tilespmem:$0x1BA00] =	vst v63  }
0x6a: {  	_ = 	snop  }
0x6b: {  	[spmem:s12] =	stream.indirect.scatter.add.f32 [tilespmem:s3], [sflag:$0x3], $0x8, s18, s5, $0xb8;
	[tilespmem:$0x1BA00] =	vst v63  }
0x6c: {  	_ =	swait.ge [sflag:s10], $0x400  }
0x6d: {  	[sflag:s10] =	ssyncset.done $0x0  }
0x6e: {  	[sflag:s10] =	ssyncadd.s32 $0xFFFFFC00  }
0x6f: {  	_ =	swait.ge [sflag:s9], $0x2000  }
0x70: {  	[sflag:s9] =	ssyncset.done $0x0  }
0x71: {  	s18 =	simm.s32 $0x4F80;
	[sflag:s9] =	ssyncadd.s32 $0xFFFFE000  }
0x72: {  	[spmem:s1] =	stream.indirect.scatter.add.f32 [tilespmem:s7], [sflag:$0x3], $0x40, s18, s5, $0xb8;
	[tilespmem:$0x1BA00] =	vst v63  }
0x73: {  	_ =	swait.ge [sflag:s10], $0x2000  }
0x74: {  	[sflag:s10] =	ssyncset.done $0x0  }
0x75: {  	s19 =	simm.s32 $0x180;
	[sflag:s10] =	ssyncadd.s32 $0xFFFFE000  }
0x76: {  	[tilespmem:s7], [sflag:$0x2] =	stream.indirect.gather [hbm4b:s16+s5], $0x40, s19, s5, $0xb8;
	[tilespmem:$0x1BA00] =	vst v63  }
0x77: {  	_ = 	snop  }
0x78: {  	[spmem:s12] =	stream.indirect.scatter.add.f32 [tilespmem:s3], [sflag:$0x3], $0x8, s18, s5, $0xb8;
	[tilespmem:$0x1BA00] =	vst v63  }
0x79: {  	_ =	swait.ge [sflag:s10], $0x400  }
0x7a: {  	s15 =	simm.s32 $0x400;
	[sflag:s10] =	ssyncset.done $0x0  }
.LBB2_2:
0x7b: {  	p0 =	sne.s32 s15, $0x13400  }
0x7c: {  	[sflag:s10] =	ssyncadd.s32 $0xFFFFFC00;
	s17 =	smov.u32 s15;
	s15 =	sadd.s32 $0x400, s15  }
0x7d: {  	_ = 	snop  }
0x7e: {  	_ =	swait.ge [sflag:s8], $0x2000  }
0x7f: {  	s17 =	sshra.s32 s17, $0x2;
	[sflag:s8] =	ssyncset.done $0x0  }
0x80: {  	s18 =	sadd.s32 $0x4F00, s17;
	[sflag:s8] =	ssyncadd.s32 $0xFFFFE000  }
0x81: {  	[spmem:s1] =	stream.indirect.scatter.add.f32 [tilespmem:s6], [sflag:$0x3], $0x40, s18, s5, $0xb8;
	[tilespmem:$0x1BA00] =	vst v63  }
0x82: {  	_ =	swait.ge [sflag:s10], $0x2000  }
0x83: {  	[sflag:s10] =	ssyncset.done $0x0  }
0x84: {  	s19 =	sadd.s32 $0x100, s17;
	[sflag:s10] =	ssyncadd.s32 $0xFFFFE000  }
0x85: {  	[tilespmem:s6], [sflag:$0x1] =	stream.indirect.gather [hbm4b:s16+s5], $0x40, s19, s5, $0xb8;
	[tilespmem:$0x1BA00] =	vst v63  }
0x86: {  	_ = 	snop  }
0x87: {  	[spmem:s12] =	stream.indirect.scatter.add.f32 [tilespmem:s3], [sflag:$0x3], $0x8, s18, s5, $0xb8;
	[tilespmem:$0x1BA00] =	vst v63  }
0x88: {  	_ =	swait.ge [sflag:s10], $0x400  }
0x89: {  	[sflag:s10] =	ssyncset.done $0x0  }
0x8a: {  	[sflag:s10] =	ssyncadd.s32 $0xFFFFFC00  }
0x8b: {  	_ =	swait.ge [sflag:s9], $0x2000  }
0x8c: {  	[sflag:s9] =	ssyncset.done $0x0  }
0x8d: {  	s18 =	sadd.s32 $0x4F80, s17;
	[sflag:s9] =	ssyncadd.s32 $0xFFFFE000  }
0x8e: {  	[spmem:s1] =	stream.indirect.scatter.add.f32 [tilespmem:s7], [sflag:$0x3], $0x40, s18, s5, $0xb8;
	[tilespmem:$0x1BA00] =	vst v63  }
0x8f: {  	_ =	swait.ge [sflag:s10], $0x2000  }
0x90: {  	[sflag:s10] =	ssyncset.done $0x0  }
0x91: {  	s17 =	sadd.s32 $0x180, s17;
	[sflag:s10] =	ssyncadd.s32 $0xFFFFE000  }
0x92: {  	[tilespmem:s7], [sflag:$0x2] =	stream.indirect.gather [hbm4b:s16+s5], $0x40, s17, s5, $0xb8;
	[tilespmem:$0x1BA00] =	vst v63  }
.Ltmp0:
0x93: {  	_ = 	snop;
	(pc) =	sbr.rel @p0 .LBB2_2-.Ltmp0, $4  }
0x94: {  	_ = 	snop  }
0x95: {  	[spmem:s12] =	stream.indirect.scatter.add.f32 [tilespmem:s3], [sflag:$0x3], $0x8, s18, s5, $0xb8;
	[tilespmem:$0x1BA00] =	vst v63  }
0x96: {  	_ =	swait.ge [sflag:s10], $0x400  }
0x97: {  	[sflag:s10] =	ssyncset.done $0x0  }
0x98: {  	[sflag:s10] =	ssyncadd.s32 $0xFFFFFC00  }
0x99: {  	_ =	swait.ge [sflag:s8], $0x2000  }
0x9a: {  	[sflag:s8] =	ssyncset.done $0x0  }
0x9b: {  	[sflag:s8] =	ssyncadd.s32 $0xFFFFE000  }
0x9c: {  	[spmem:s1] =	stream.indirect.scatter.add.f32 [tilespmem:s6], [sflag:$0x3], $0x40, s11, s5, $0xb8;
	[tilespmem:$0x1BA00] =	vst v63  }
0x9d: {  	_ =	swait.ge [sflag:s10], $0x2000  }
0x9e: {  	[sflag:s10] =	ssyncset.done $0x0  }
0x9f: {  	[sflag:s10] =	ssyncadd.s32 $0xFFFFE000  }
0xa0: {  	[spmem:s12] =	stream.indirect.scatter.add.f32 [tilespmem:s3], [sflag:$0x3], $0x8, s11, s5, $0xb8;
	[tilespmem:$0x1BA00] =	vst v63  }
0xa1: {  	_ =	swait.ge [sflag:s10], $0x400  }
0xa2: {  	[sflag:s10] =	ssyncset.done $0x0  }
0xa3: {  	[sflag:s10] =	ssyncadd.s32 $0xFFFFFC00  }
0xa4: {  	_ =	swait.ge [sflag:s9], $0x2000  }
0xa5: {  	[sflag:s9] =	ssyncset.done $0x0  }
0xa6: {  	[sflag:s9] =	ssyncadd.s32 $0xFFFFE000  }
0xa7: {  	[spmem:s1] =	stream.indirect.scatter.add.f32 [tilespmem:s7], [sflag:$0x3], $0x40, s13, s5, $0xb8;
	[tilespmem:$0x1BA00] =	vst v63  }
0xa8: {  	_ =	swait.ge [sflag:s10], $0x2000  }
0xa9: {  	[sflag:s10] =	ssyncset.done $0x0  }
0xaa: {  	[sflag:s10] =	ssyncadd.s32 $0xFFFFE000  }
0xab: {  	[spmem:s12] =	stream.indirect.scatter.add.f32 [tilespmem:s3], [sflag:$0x3], $0x8, s13, s5, $0xb8;
	[tilespmem:$0x1BA00] =	vst v63  }
0xac: {  	_ =	swait.ge [sflag:s10], $0x400  }
0xad: {  	[sflag:s10] =	ssyncset.done $0x0  }
0xae: {  	s15 =	stileid.u32;
	[sflag:s10] =	ssyncadd.s32 $0xFFFFFC00  }
0xaf: {  	s15 =	sshll.u32 s15, $0x6;
	[bflag:$0x0] =	sbarrier.arrive $0xFFFF  }
0xb0: {  	s17 =	sshrl.u32 s20, $0x3;
	s15 =	sor.u32 $0x1C03, s15;
	s18 =	rddreg [dreg:$0x5]  }
0xb1: {  	[hbm:s18], [sflag:s15] =	dma.local [spmem:s17], $0x400  }
0xb2: {  	_ =	swait.ge [sflag:s10], $0x400  }
0xb3: {  	[sflag:s10] =	ssyncset.done $0x0  }
0xb4: {  	s18 =	sshrl.u32 s21, $0x3;
	s19 =	rddreg [dreg:$0xa];
	[sflag:s10] =	ssyncadd.s32 $0xFFFFFC00  }
0xb5: {  	[hbm:s19], [sflag:s15] =	dma.local [spmem:s18], $0x80  }
0xb6: {  	_ =	swait.ge [sflag:s10], $0x80  }
0xb7: {  	[sflag:s10] =	ssyncset.done $0x0  }
0xb8: {  	s18 =	sshrl.u32 s22, $0x3;
	s19 =	rddreg [dreg:$0x6];
	[sflag:s10] =	ssyncadd.s32 $0xFFFFFF80  }
0xb9: {  	[hbm:s19], [sflag:s15] =	dma.local [spmem:s18], $0x400  }
0xba: {  	_ =	swait.ge [sflag:s10], $0x400  }
0xbb: {  	[sflag:s10] =	ssyncset.done $0x0  }
0xbc: {  	s18 =	sshrl.u32 s23, $0x3;
	s19 =	rddreg [dreg:$0xb];
	[sflag:s10] =	ssyncadd.s32 $0xFFFFFC00  }
0xbd: {  	[hbm:s19], [sflag:s15] =	dma.local [spmem:s18], $0x80  }
0xbe: {  	_ =	swait.ge [sflag:s10], $0x80  }
0xbf: {  	[sflag:s10] =	ssyncset.done $0x0  }
0xc0: {  	s18 =	sshrl.u32 s24, $0x3;
	s19 =	rddreg [dreg:$0x7];
	[sflag:s10] =	ssyncadd.s32 $0xFFFFFF80  }
0xc1: {  	[hbm:s19], [sflag:s15] =	dma.local [spmem:s18], $0x400  }
0xc2: {  	_ =	swait.ge [sflag:s10], $0x400  }
0xc3: {  	[sflag:s10] =	ssyncset.done $0x0  }
0xc4: {  	s18 =	sshrl.u32 s25, $0x3;
	s19 =	rddreg [dreg:$0xc];
	[sflag:s10] =	ssyncadd.s32 $0xFFFFFC00  }
0xc5: {  	[hbm:s19], [sflag:s15] =	dma.local [spmem:s18], $0x80  }
0xc6: {  	_ =	swait.ge [sflag:s10], $0x80  }
0xc7: {  	[sflag:s10] =	ssyncset.done $0x0  }
0xc8: {  	s18 =	sshrl.u32 s26, $0x3;
	s19 =	rddreg [dreg:$0x8];
	[sflag:s10] =	ssyncadd.s32 $0xFFFFFF80  }
0xc9: {  	[hbm:s19], [sflag:s15] =	dma.local [spmem:s18], $0x400  }
0xca: {  	_ =	swait.ge [sflag:s10], $0x400  }
0xcb: {  	[sflag:s10] =	ssyncset.done $0x0  }
0xcc: {  	s18 =	sshrl.u32 s28, $0x3;
	s19 =	rddreg [dreg:$0xd];
	[sflag:s10] =	ssyncadd.s32 $0xFFFFFC00  }
0xcd: {  	[hbm:s19], [sflag:s15] =	dma.local [spmem:s18], $0x80  }
0xce: {  	_ =	swait.ge [sflag:s10], $0x80  }
0xcf: {  	[sflag:s10] =	ssyncset.done $0x0  }
0xd0: {  	s18 =	sshrl.u32 s29, $0x3;
	s19 =	rddreg [dreg:$0x9];
	[sflag:s10] =	ssyncadd.s32 $0xFFFFFF80  }
0xd1: {  	[hbm:s19], [sflag:s15] =	dma.local [spmem:s18], $0x400  }
0xd2: {  	s14 =	sadd.s32 $0x1, s14;
	_ =	swait.ge [sflag:s10], $0x400  }
0xd3: {  	p0 =	sne.s32 s14, s31;
	s18 =	sshrl.u32 s30, $0x3;
	[sflag:s10] =	ssyncset.done $0x0  }
.Ltmp1:
0xd4: {  	s19 =	rddreg [dreg:$0xe];
	[sflag:s10] =	ssyncadd.s32 $0xFFFFFC00;
	(pc) =	sbr.rel @p0 .LBB2_1-.Ltmp1, $4  }
0xd5: {  	[hbm:s19], [sflag:s15] =	dma.local [spmem:s18], $0x80  }
0xd6: {  	_ =	swait.ge [sflag:s10], $0x80  }
0xd7: {  	[sflag:s10] =	ssyncset.done $0x0  }
0xd8: {  	[sflag:s10] =	ssyncadd.s32 $0xFFFFFF80  }
0xd9: {  	_ =	sfence.sel $0x180000  }
0xda: {  	[bflag:$0x0] =	sbarrier.arrive $0xFFFF  }
0xdb: {  	_ =	strace $0x90000047  }
0xdc: {  	s0 =	stileid.u32;
	[bflag:$0x2] =	sbarrier.arrive $0xFFFF  }
0xdd: {  	p0 =	sne.s32 s0, $0x0;
	s0 =	rddreg [dreg:$0x4]  }
0xde: {  	s0 =	sadd.s32 @!p0 $0x100000, s0  }
0xdf: {  	[sflag:s0] =	ssyncadd.tile.s32 @!p0 $0x1;
	_ =	shalt  }
.Lfunc_end2:
_tile_overlayer_lowered:
.L_overlay_start_2:
0xe0: {  	(tag) =	ssettag $0x2  }
0xe1: {  	s0 =	rddreg [dreg:$0x0];
	s2 =	stileid.u32  }
0xe2: {  	s1 =	rddreg [dreg:$0x1];
	p0 =	sne.s32 s2, $0x0  }
0xe3: {  	s3 =	rddreg [dreg:$0x2];
	[bflag:$0x3] =	sbarrier.arrive $0xFFFF;
	s2 =	simm.s32 @!p0 $0x1C03  }
0xe4: {  	[timem:s3], [sflag:s2] =	dma.local @!p0 [hbm:s0], s1  }
0xe5: {  	s0 =	simm.s32 @!p0 $0x3  }
0xe6: {  	_ =	swait.ge @!p0 [sflag:s0], s1  }
0xe7: {  	s1 =	ssub.s32 @!p0 $0x0, s1;
	[sflag:s0] =	ssyncset.done @!p0 $0x0  }
0xe8: {  	[sflag:s0] =	ssyncadd.s32 @!p0 s1  }
0xe9: {  	[bflag:$0x3] =	sbarrier.arrive $0xFFFF  }
0xea: {  	_ =	shalt  }

// kernel: kernel.9.cloned.1.call-start
scs
__scs_entry_jumppad:
0x0: {  	(pc) =	sbr.rel $0x88, $3  }
0x1: {  	(tag) =	ssettag $0x0;
	lr =	simm.s32 $0x1  }
0x2: {  	[smem:$0x3F99] =	sst lr;
	_ =	strace $0xD0000000  }
0x3: {  	_ = 	snop  }
0x4: {  	_ = 	snop  }
0x5: {  	_ = 	snop  }
0x6: {  	_ = 	snop  }
0x7: {  	_ = 	snop  }
__scs_overlays_trampoline_lowered:
0x8: {  	[smem:$0x3FA8] =	sst s0  }
0x9: {  	[smem:$0x3FA9] =	sst s1  }
0xa: {  	[smem:$0x3FAA] =	sst s2  }
0xb: {  	[smem:$0x3FAB] =	sst s3  }
0xc: {  	[smem:$0x3FAC] =	sst s4  }
0xd: {  	[smem:$0x3FAD] =	sst s5  }
0xe: {  	[smem:$0x3FAE] =	sst s6  }
0xf: {  	[smem:$0x3FAF] =	sst s7  }
0x10: {  	[smem:$0x3FB0] =	sst s8  }
0x11: {  	[smem:$0x3FB1] =	sst s9;
	s0 =	simm.s32 @!p0 $0x0  }
0x12: {  	s1 =	sld [smem:$0x3F97];
	s0 =	simm.s32 @p0 $0x1  }
0x13: {  	[smem:$0x3FB2] =	sst s0;
	s0 =	simm.s32 @!p1 $0x0  }
0x14: {  	s2 =	sld [smem:$0x3F96];
	s0 =	simm.s32 @p1 $0x1  }
0x15: {  	[smem:$0x3FB3] =	sst s0;
	s0 =	simm.s32 @!p2 $0x0  }
0x16: {  	s3 =	sld [smem:$0x3FDB];
	s0 =	simm.s32 @p2 $0x1  }
0x17: {  	s4 =	simm.s32 $0x1BF5;
	[smem:$0x3FB5] =	sst s0  }
0x18: {  	s0 =	sld [smem:$0x3F98];
	_ =	swait.ge [sflag:s4], $0x0  }
0x19: {  	s7 =	sld [smem:$0x3F99]  }
0x1a: {  	s8 =	sadd.s32 $0xFFFFE003, lr  }
0x1b: {  	s9 =	sadd.s32 $0xFFFFFEF7, lr;
	s5 =	simm.s32 $0xFFFFFFFF;
	p2 =	slt.u32 s8, $0xFFFFF086  }
0x1c: {  	p1 =	slt.u32 s9, $0xF7A;
	s5 =	simm.s32 @!p2 $0x0  }
0x1d: {  	s5 =	simm.s32 @p1 $0x1;
	p0 =	seq.s32 s7, s2  }
0x1e: {  	s7 =	smul.u32 @!p0 $0xF7A, s2;
	p2 =	seq.s32 @!p0 s5, $0x0  }
0x1f: {  	s9 =	smul.u32 $0xF7A, s1;
	s8 =	simm.s32 @!p0 $0x1BF5;
	p2 =	por !p2, p0  }
0x20: {  	[sflag:s8] =	ssyncset.s32 @!p0 $0xFFFFF086;
	s6 =	sadd.s32 @!p0 s3, s7;
	s7 =	simm.s32 @!p0 $0x108  }
0x21: {  	s3 =	sadd.s32 s3, s9;
	s6 =	sadd.s32 @!p0 $0x88, s6;
	s7 =	simm.s32 @p2 $0x1082  }
0x22: {  	[simem:s7], [sflag:s8] =	dma.local @!p0 [hbm:s6], $0xF7A  }
0x23: {  	s9 =	sor.u32 $0xD0000000, s2;
	s6 =	simm.s32 $0x108;
	_ =	swait.ge @!p0 [sflag:s8], $0x0  }
0x24: {  	s3 =	sadd.s32 $0x88, s3;
	s6 =	simm.s32 @!p1 $0x1082;
	[sflag:s4] =	ssyncset.s32 $0xFFFFF086  }
0x25: {  	[simem:s6], [sflag:s4] =	dma.local [hbm:s3], $0xF7A  }
0x26: {  	[smem:$0x3F99] =	sst s1;
	(tag) =	ssettag s2;
	_ =	strace s9  }
0x27: {  	s1 =	sld [smem:$0x3FA9]  }
0x28: {  	s2 =	sld [smem:$0x3FAA]  }
0x29: {  	s4 =	sld [smem:$0x3FAC]  }
0x2a: {  	p0 =	seq.s32 s5, $0x0;
	s5 =	sld [smem:$0x3FAD]  }
0x2b: {  	s6 =	sld [smem:$0x3FAE]  }
0x2c: {  	s7 =	sld [smem:$0x3FAF]  }
0x2d: {  	s3 =	simm.s32 $0x108;
	s8 =	sld [smem:$0x3FB0]  }
0x2e: {  	s3 =	simm.s32 @!p0 $0x1082;
	s9 =	sld [smem:$0x3FB1]  }
0x2f: {  	lr =	sadd.s32 s0, s3;
	s0 =	sld [smem:$0x3FA8]  }
0x30: {  	s3 =	sld [smem:$0x3FAB]  }
0x31: {  	[smem:$0x3FB4] =	sst s10  }
0x32: {  	s10 =	sld [smem:$0x3FB2];
	_ =	sdelay $0x3  }
0x33: {  	p0 =	seq.s32 s10, $0x1;
	s10 =	sld [smem:$0x3FB4];
	_ =	sdelay $0x3  }
0x34: {  	[smem:$0x3FB4] =	sst s10  }
0x35: {  	s10 =	sld [smem:$0x3FB3];
	_ =	sdelay $0x3  }
0x36: {  	p1 =	seq.s32 s10, $0x1;
	s10 =	sld [smem:$0x3FB4];
	_ =	sdelay $0x3  }
0x37: {  	[smem:$0x3FB4] =	sst s10  }
0x38: {  	s10 =	sld [smem:$0x3FB5]  }
0x39: {  	_ = 	snop;
	(pc) =	sbr.ind lr, $3  }
0x3a: {  	_ = 	snop  }
0x3b: {  	_ = 	snop  }
0x3c: {  	p2 =	seq.s32 s10, $0x1;
	s10 =	sld [smem:$0x3FB4]  }
0x3d: {  	_ =	shalt  }
0x3e: {  	_ =	shalt  }
0x3f: {  	_ =	shalt  }
0x40: {  	_ =	shalt  }
0x41: {  	_ =	shalt  }
0x42: {  	_ =	shalt  }
0x43: {  	_ =	shalt  }
0x44: {  	_ =	shalt  }
0x45: {  	_ =	shalt  }
0x46: {  	_ =	shalt  }
0x47: {  	_ =	shalt  }
0x48: {  	_ =	shalt  }
0x49: {  	_ =	shalt  }
0x4a: {  	_ =	shalt  }
0x4b: {  	_ =	shalt  }
0x4c: {  	_ =	shalt  }
0x4d: {  	_ =	shalt  }
0x4e: {  	_ =	shalt  }
0x4f: {  	_ =	shalt  }
0x50: {  	_ =	shalt  }
0x51: {  	_ =	shalt  }
0x52: {  	_ =	shalt  }
0x53: {  	_ =	shalt  }
0x54: {  	_ =	shalt  }
0x55: {  	_ =	shalt  }
0x56: {  	_ =	shalt  }
0x57: {  	_ =	shalt  }
0x58: {  	_ =	shalt  }
0x59: {  	_ =	shalt  }
0x5a: {  	_ =	shalt  }
0x5b: {  	_ =	shalt  }
0x5c: {  	_ =	shalt  }
0x5d: {  	_ =	shalt  }
0x5e: {  	_ =	shalt  }
0x5f: {  	_ =	shalt  }
0x60: {  	_ =	shalt  }
0x61: {  	_ =	shalt  }
0x62: {  	_ =	shalt  }
0x63: {  	_ =	shalt  }
0x64: {  	_ =	shalt  }
0x65: {  	_ =	shalt  }
0x66: {  	_ =	shalt  }
0x67: {  	_ =	shalt  }
0x68: {  	_ =	shalt  }
0x69: {  	_ =	shalt  }
0x6a: {  	_ =	shalt  }
0x6b: {  	_ =	shalt  }
0x6c: {  	_ =	shalt  }
0x6d: {  	_ =	shalt  }
0x6e: {  	_ =	shalt  }
0x6f: {  	_ =	shalt  }
0x70: {  	_ =	shalt  }
0x71: {  	_ =	shalt  }
0x72: {  	_ =	shalt  }
0x73: {  	_ =	shalt  }
0x74: {  	_ =	shalt  }
0x75: {  	_ =	shalt  }
0x76: {  	_ =	shalt  }
0x77: {  	_ =	shalt  }
0x78: {  	_ =	shalt  }
0x79: {  	_ =	shalt  }
0x7a: {  	_ =	shalt  }
0x7b: {  	_ =	shalt  }
0x7c: {  	_ =	shalt  }
0x7d: {  	_ =	shalt  }
0x7e: {  	_ =	shalt  }
0x7f: {  	_ =	shalt  }
0x80: {  	_ =	shalt  }
0x81: {  	_ =	shalt  }
0x82: {  	_ =	shalt  }
0x83: {  	_ =	shalt  }
0x84: {  	_ =	shalt  }
0x85: {  	_ =	shalt  }
0x86: {  	_ =	shalt  }
0x87: {  	_ =	shalt  }
.Lfunc_end0:
.L_simem_size_0:
called_computation.1_lowered:
.L_overlay_start_0:
0x88: {  	s2 =	sld [smem:$0x3FD9]  }
0x89: {  	s3 =	sld [smem:$0x3FFE];
	_ =	sdelay $0x1  }
0x8a: {  	s1 =	srdreg.scid  }
0x8b: {  	s0 =	sand.u32 $0x1, s1  }
0x8c: {  	s17 =	sshll.u32 s0, $0xA;
	s2 =	sadd.s32 s3, s2  }
0x8d: {  	s2 =	sadd.s32 s2, s17  }
0x8e: {  	[smem:$0x3FC0] =	sst s2  }
0x8f: {  	_ = 	snop  }
0x90: {  	s2 =	sld [smem:$0x3FD0];
	(tm) =	ssettm $0x1  }
0x91: {  	s18 =	sld [smem:$0x3FFB];
	_ =	sdelay $0x3  }
0x92: {  	_ =	strace s18  }
0x93: {  	s3 =	sld [smem:$0x3FFC];
	_ =	sdelay $0x3  }
0x94: {  	_ =	strace s3  }
0x95: {  	s3 =	sld [smem:$0x3FFD];
	_ =	sdelay $0x3  }
0x96: {  	_ =	strace s3  }
0x97: {  	_ =	strace $0x8FFFFFFF  }
0x98: {  	s19 =	sld [smem:$0x3FDB];
	_ =	sdelay $0x1  }
0x99: {  	s4 =	simm.s32 $_scs_section_size  }
0x9a: {  	s5 =	simm.s32 $_size__tile_overlayer_lowered;
	s6 =	simm.s32 $_tile_overlayer_lowered  }
0x9b: {  	s22 =	simm.s32 $0x1BFF;
	s21 =	sshll.u32 s6, $0x1;
	s3 =	sadd.s32 s4, s19  }
0x9c: {  	s7 =	simm.s32 $0x0;
	s20 =	sshll.u32 s5, $0x1;
	s5 =	sadd.s32 s21, s3  }
0x9d: {  	[timem:s7], [sflag:s22] =	dma.local [hbm:s5], s20  }
0x9e: {  	_ =	swait.ge [sflag:s22], s20  }
0x9f: {  	s4 =	ssub.s32 $0x0, s20;
	[sflag:s22] =	ssyncset.done $0x0  }
0xa0: {  	[sflag:s22] =	ssyncadd.s32 s4;
	_ =	sdelay $0x1  }
0xa1: {  	s23 =	simm.s32 $0x1B8B  }
0xa2: {  	_ =	swait.ge [sflag:s23], $0x1  }
0xa3: {  	[sflag:s23] =	ssyncset.done $0x0  }
0xa4: {  	s25 =	simm.s32 $0x1B8E;
	s24 =	sld [smem:$0x3FFE];
	[sflag:s23] =	ssyncadd.s32 $0xFFFFFFFF  }
0xa5: {  	s26 =	simm.s32 $execute0_lowered;
	[smem:$0x3FD2] =	sst s25  }
0xa6: {  	s5 =	sshll.u32 s26, $0x1;
	_ =	strace $0x80000049;
	[dreg:$0x1] =	wrdreg $0xFFFFFFFF  }
0xa7: {  	s28 =	simm.s32 $_size_execute0_lowered;
	s3 =	sadd.s32 s3, s5;
	[dreg:$0x0] =	wrdreg $0x0  }
0xa8: {  	s5 =	sshll.u32 s28, $0x1;
	[dreg:$0x2] =	wrdreg s3  }
0xa9: {  	[dreg:$0x3] =	wrdreg s5  }
0xaa: {  	[dreg:$0x4] =	wrdreg $0xC0  }
0xab: {  	_ =	task [dreg:s7], $0x5FFFF  }
0xac: {  	[dreg:$0x1] =	wrdreg $0xFFFFFFFF  }
0xad: {  	[dreg:$0x0] =	wrdreg $0x60  }
0xae: {  	[dreg:$0x2] =	wrdreg s24  }
0xaf: {  	[dreg:$0x3] =	wrdreg s2  }
0xb0: {  	[dreg:$0x4] =	wrdreg $0x106000  }
0xb1: {  	[dreg:$0x5] =	wrdreg $0x9  }
0xb2: {  	_ =	task.clear_ibuf [dreg:s7], $0x6FFFF;
	_ =	strace $0x90000049  }
0xb3: {  	s29 =	simm.s32 $0x9;
	_ =	strace $0x8000004B  }
0xb4: {  	_ =	swait.ge [sflag:s29], $0x1  }
0xb5: {  	[sflag:s29] =	ssyncadd.s32 $0xFFFFFFFF  }
0xb6: {  	_ =	strace $0x9000004B  }
0xb7: {  	_ =	sfence  }
0xb8: {  	s30 =	sld [smem:$0x0];
	_ =	sdelay $0x2  }
0xb9: {  	s31 =	sshll.u32 s1, $0xD;
	s1 =	sshrl.u32 s1, $0x2  }
0xba: {  	s3 =	sand.u32 $0x4000, s31;
	s1 =	sadd.s32 s1, s30  }
0xbb: {  	s0 =	sor.u32 s3, s0;
	s1 =	sshll.u32 s1, $0x11  }
0xbc: {  	s0 =	sor.u32 s1, s0  }
0xbd: {  	s0 =	sadd.s32 $0x8F2B, s0  }
0xbe: {  	[sflag:s0] =	ssyncadd.remote.s32 $0x1  }
0xbf: {  	_ =	sfence.sel $0xFFFF  }
0xc0: {  	[dreg:$0x0] =	wrdreg $0xFFFFFFFF;
	(pc) =	sbr.abs _section_cstart, $3  }
0xc1: {  	[dreg:$0x1] =	wrdreg $0xFFFFFFFF  }
0xc2: {  	_ =	task.clear_ibuf [dreg:s7], $0x2FFFF;
	_ =	strace $0x9FFFFFFF  }
0xc3: {  	(tm) =	ssettm $0x7FFFFFFF  }
tec
execute0_lowered:
.L_overlay_start_1:
0x0: {  	(tag) =	ssettag $0x1  }
0x1: {  	s0 =	rddreg [dreg:$0x0]  }
0x2: {  	s1 =	srdreg.scid;
	s7 =	rddreg [dreg:$0x1]  }
0x3: {  	s2 =	rddreg [dreg:$0x2];
	s12 =	stileid.u32  }
0x4: {  	s3 =	simm.s32 $0x0;
	s22 =	simm.s32 $0xDE00;
	s24 =	simm.s32 $0x80  }
0x5: {  	s25 =	simm.s32 $0x9E00;
	s26 =	simm.s32 $0xBE00;
	s28 =	simm.s32 $0x1  }
0x6: {  	s29 =	simm.s32 $0x2;
	s30 =	simm.s32 $0x9D00;
	s31 =	simm.s32 $0x9D80  }
0x7: {  	s1 =	sand.u32 $0x1, s1;
	[smem:$0x7FF] =	sst s3;
	s5 =	sadd.s32 $0x8E000, s0  }
0x8: {  	s6 =	sadd.s32 $0x8DE00, s0;
	s13 =	smul.u32 $0xA000, s12;
	s4 =	sshll.u32 s1, $0x4  }
0x9: {  	_ =	strace $0x8000004A;
	s10 =	ssub.s32 $0x2, s1;
	s1 =	smul.u32 $0xA0000, s1  }
0xa: {  	s4 =	sor.u32 s12, s4;
	s11 =	sshrl.u32 s10, $0x1;
	s14 =	sadd.s32 $0x2000, s13  }
0xb: {  	s16 =	sadd.s32 $0x4000, s13;
	s17 =	sadd.s32 $0x6000, s13;
	s18 =	sadd.s32 $0x8000, s13  }
0xc: {  	s8 =	smul.u32 $0x9E0, s4;
	s4 =	sadd.s32 $0x52200, s0;
	s19 =	ssub.s32 s10, s11  }
0xd: {  	s10 =	sadd.s32 s14, s2;
	s11 =	sadd.s32 s16, s2;
	s12 =	sadd.s32 s17, s2  }
0xe: {  	s15 =	sadd.s32 s13, s1;
	s14 =	sadd.s32 s1, s14;
	s16 =	sadd.s32 s1, s16  }
0xf: {  	s17 =	sadd.s32 s1, s17;
	s1 =	sadd.s32 s1, s18;
	s15 =	sshrl.u32 s15, $0x3  }
0x10: {  	s20 =	sshrl.u32 s14, $0x3;
	s16 =	sshrl.u32 s16, $0x3;
	s17 =	sshrl.u32 s17, $0x3  }
0x11: {  	s1 =	sshrl.u32 s1, $0x3;
	s19 =	smax.u32 s19, $0x1;
	s9 =	sadd.s32 s8, s0  }
0x12: {  	s0 =	sadd.s32 $0x8E400, s0;
	s7 =	sadd.s32 s7, s8;
	s8 =	sadd.s32 $0x7A200, s9  }
0x13: {  	s9 =	sadd.s32 s13, s2;
	s13 =	sadd.s32 s18, s2;
	s14 =	sadd.s32 s0, s15  }
0x14: {  	s15 =	sadd.s32 s0, s20;
	s16 =	sadd.s32 s0, s16;
	s17 =	sadd.s32 s0, s17  }
0x15: {  	s18 =	sadd.s32 s0, s1;
	s20 =	simm.s32 $0x3;
	s0 =	simm.s32 $0x0  }
.LBB2_1:
0x16: {  	[tilespmem:s3], [sflag:$0x3] =	stream.linear.gather [hbm4b:s7+s3], $0x4F00, $0x38;
	[tilespmem:$0x1A600] =	vst v63  }
0x17: {  	_ =	swait.ge [sflag:s20], $0x4F00  }
0x18: {  	[sflag:s20] =	ssyncset.done $0x0  }
0x19: {  	s1 =	simm.s32 $0x4F00;
	[sflag:s20] =	ssyncadd.s32 $0xFFFFB100  }
0x1a: {  	[tilespmem:s1], [sflag:$0x3] =	stream.linear.gather [hbm4b:s8+s3], $0x4F00, $0x38;
	[tilespmem:$0x1A600] =	vst v63  }
0x1b: {  	_ =	swait.ge [sflag:s20], $0x4F00  }
0x1c: {  	[sflag:s20] =	ssyncset.done $0x0  }
0x1d: {  	[sflag:s20] =	ssyncadd.s32 $0xFFFFB100  }
0x1e: {  	[tilespmem:s22], [sflag:$0x3] =	stream.linear.gather [hbm4b:s5+s3], $0x2000, $0x38;
	[tilespmem:$0x1A600] =	vst v63  }
0x1f: {  	_ =	swait.ge [sflag:s20], $0x2000  }
0x20: {  	[sflag:s20] =	ssyncset.done $0x0  }
0x21: {  	s21 =	simm.s32 $0xFE00;
	[sflag:s20] =	ssyncadd.s32 $0xFFFFE000  }
0x22: {  	[tilespmem:s21], [sflag:$0x3] =	stream.linear.gather [hbm4b:s6+s3], $0x800, $0x38;
	[tilespmem:$0x1A600] =	vst v63  }
0x23: {  	_ =	swait.ge [sflag:s20], $0x800  }
0x24: {  	[sflag:s20] =	ssyncset.done $0x0  }
0x25: {  	[sflag:s20] =	ssyncadd.s32 $0xFFFFF800  }
0x26: {  	[spmem:s9] =	stream.linear.scatter [tilespmem:s22], [sflag:$0x3], $0x2000, $0x38;
	[tilespmem:$0x1A600] =	vst v63  }
0x27: {  	_ =	swait.ge [sflag:s20], $0x2000  }
0x28: {  	[sflag:s20] =	ssyncset.done $0x0  }
0x29: {  	[sflag:s20] =	ssyncadd.s32 $0xFFFFE000  }
0x2a: {  	[spmem:s10] =	stream.linear.scatter [tilespmem:s22], [sflag:$0x3], $0x2000, $0x38;
	[tilespmem:$0x1A600] =	vst v63  }
0x2b: {  	_ =	swait.ge [sflag:s20], $0x2000  }
0x2c: {  	[sflag:s20] =	ssyncset.done $0x0  }
0x2d: {  	[sflag:s20] =	ssyncadd.s32 $0xFFFFE000  }
0x2e: {  	[spmem:s11] =	stream.linear.scatter [tilespmem:s22], [sflag:$0x3], $0x2000, $0x38;
	[tilespmem:$0x1A600] =	vst v63  }
0x2f: {  	_ =	swait.ge [sflag:s20], $0x2000  }
0x30: {  	[sflag:s20] =	ssyncset.done $0x0  }
0x31: {  	[sflag:s20] =	ssyncadd.s32 $0xFFFFE000  }
0x32: {  	[spmem:s12] =	stream.linear.scatter [tilespmem:s22], [sflag:$0x3], $0x2000, $0x38;
	[tilespmem:$0x1A600] =	vst v63  }
0x33: {  	_ =	swait.ge [sflag:s20], $0x2000  }
0x34: {  	[sflag:s20] =	ssyncset.done $0x0  }
0x35: {  	[sflag:s20] =	ssyncadd.s32 $0xFFFFE000  }
0x36: {  	[spmem:s13] =	stream.linear.scatter [tilespmem:s22], [sflag:$0x3], $0x2000, $0x38;
	[tilespmem:$0x1A600] =	vst v63  }
0x37: {  	_ =	swait.ge [sflag:s20], $0x2000  }
0x38: {  	[sflag:s20] =	ssyncset.done $0x0  }
0x39: {  	[sflag:s20] =	ssyncadd.s32 $0xFFFFE000  }
0x3a: {  	[bflag:$0x0] =	sbarrier.arrive $0xFFFF  }
0x3b: {  	[tilespmem:s25], [sflag:$0x1] =	stream.indirect.gather [hbm4b:s4+s24], $0x40, s3, s24, $0xb8;
	[tilespmem:$0x1A600] =	vst v63  }
0x3c: {  	_ = 	snop  }
0x3d: {  	[tilespmem:s26], [sflag:$0x2] =	stream.indirect.gather [hbm4b:s4+s24], $0x40, s24, s24, $0xb8;
	[tilespmem:$0x1A600] =	vst v63  }
0x3e: {  	_ =	swait.ge [sflag:s28], $0x2000  }
0x3f: {  	[sflag:s28] =	ssyncset.done $0x0  }
0x40: {  	s23 =	simm.s32 $0x4F00;
	[sflag:s28] =	ssyncadd.s32 $0xFFFFE000  }
0x41: {  	[spmem:s2] =	stream.indirect.scatter.add.f32 [tilespmem:s25], [sflag:$0x3], $0x40, s23, s24, $0xb8;
	[tilespmem:$0x1A600] =	vst v63  }
0x42: {  	_ =	swait.ge [sflag:s20], $0x2000  }
0x43: {  	[sflag:s20] =	ssyncset.done $0x0  }
0x44: {  	s21 =	simm.s32 $0x100;
	[sflag:s20] =	ssyncadd.s32 $0xFFFFE000  }
0x45: {  	[tilespmem:s25], [sflag:$0x1] =	stream.indirect.gather [hbm4b:s4+s24], $0x40, s21, s24, $0xb8;
	[tilespmem:$0x1A600] =	vst v63  }
0x46: {  	_ =	swait.ge [sflag:s29], $0x2000  }
0x47: {  	[sflag:s29] =	ssyncset.done $0x0  }
0x48: {  	s23 =	simm.s32 $0x4F80;
	[sflag:s29] =	ssyncadd.s32 $0xFFFFE000  }
0x49: {  	[spmem:s2] =	stream.indirect.scatter.add.f32 [tilespmem:s26], [sflag:$0x3], $0x40, s23, s24, $0xb8;
	[tilespmem:$0x1A600] =	vst v63  }
0x4a: {  	_ =	swait.ge [sflag:s20], $0x2000  }
0x4b: {  	[sflag:s20] =	ssyncset.done $0x0  }
0x4c: {  	s1 =	simm.s32 $0x400;
	s21 =	simm.s32 $0x180;
	[sflag:s20] =	ssyncadd.s32 $0xFFFFE000  }
.LBB2_2:
0x4d: {  	[tilespmem:s26], [sflag:$0x2] =	stream.indirect.gather [hbm4b:s4+s24], $0x40, s21, s24, $0xb8;
	[tilespmem:$0x1A600] =	vst v63  }
0x4e: {  	s21 =	smov.u32 s1  }
0x4f: {  	p0 =	sne.s32 s1, $0x13400;
	s1 =	sadd.s32 $0x400, s1;
	_ =	swait.ge [sflag:s28], $0x2000  }
0x50: {  	s21 =	sshra.s32 s21, $0x2;
	[sflag:s28] =	ssyncset.done $0x0  }
0x51: {  	s23 =	sadd.s32 $0x4F00, s21;
	[sflag:s28] =	ssyncadd.s32 $0xFFFFE000  }
0x52: {  	[spmem:s2] =	stream.indirect.scatter.add.f32 [tilespmem:s25], [sflag:$0x3], $0x40, s23, s24, $0xb8;
	[tilespmem:$0x1A600] =	vst v63  }
0x53: {  	_ =	swait.ge [sflag:s20], $0x2000  }
0x54: {  	[sflag:s20] =	ssyncset.done $0x0  }
0x55: {  	s23 =	sadd.s32 $0x100, s21;
	[sflag:s20] =	ssyncadd.s32 $0xFFFFE000  }
0x56: {  	[tilespmem:s25], [sflag:$0x1] =	stream.indirect.gather [hbm4b:s4+s24], $0x40, s23, s24, $0xb8;
	[tilespmem:$0x1A600] =	vst v63  }
0x57: {  	_ =	swait.ge [sflag:s29], $0x2000  }
0x58: {  	[sflag:s29] =	ssyncset.done $0x0  }
.Ltmp0:
0x59: {  	s23 =	sadd.s32 $0x4F80, s21;
	[sflag:s29] =	ssyncadd.s32 $0xFFFFE000;
	(pc) =	sbr.rel @p0 .LBB2_2-.Ltmp0, $4  }
0x5a: {  	[spmem:s2] =	stream.indirect.scatter.add.f32 [tilespmem:s26], [sflag:$0x3], $0x40, s23, s24, $0xb8;
	[tilespmem:$0x1A600] =	vst v63  }
0x5b: {  	_ =	swait.ge [sflag:s20], $0x2000  }
0x5c: {  	[sflag:s20] =	ssyncset.done $0x0  }
0x5d: {  	s21 =	sadd.s32 $0x180, s21;
	[sflag:s20] =	ssyncadd.s32 $0xFFFFE000  }
0x5e: {  	[tilespmem:s26], [sflag:$0x2] =	stream.indirect.gather [hbm4b:s4+s24], $0x40, s21, s24, $0xb8;
	[tilespmem:$0x1A600] =	vst v63  }
0x5f: {  	_ =	swait.ge [sflag:s28], $0x2000  }
0x60: {  	[sflag:s28] =	ssyncset.done $0x0  }
0x61: {  	[sflag:s28] =	ssyncadd.s32 $0xFFFFE000  }
0x62: {  	[spmem:s2] =	stream.indirect.scatter.add.f32 [tilespmem:s25], [sflag:$0x3], $0x40, s30, s24, $0xb8;
	[tilespmem:$0x1A600] =	vst v63  }
0x63: {  	_ =	swait.ge [sflag:s20], $0x2000  }
0x64: {  	[sflag:s20] =	ssyncset.done $0x0  }
0x65: {  	[sflag:s20] =	ssyncadd.s32 $0xFFFFE000  }
0x66: {  	_ =	swait.ge [sflag:s29], $0x2000  }
0x67: {  	[sflag:s29] =	ssyncset.done $0x0  }
0x68: {  	[sflag:s29] =	ssyncadd.s32 $0xFFFFE000  }
0x69: {  	[spmem:s2] =	stream.indirect.scatter.add.f32 [tilespmem:s26], [sflag:$0x3], $0x40, s31, s24, $0xb8;
	[tilespmem:$0x1A600] =	vst v63  }
0x6a: {  	_ =	swait.ge [sflag:s20], $0x2000  }
0x6b: {  	s1 =	stileid.u32;
	[sflag:s20] =	ssyncset.done $0x0  }
0x6c: {  	s1 =	sshll.u32 s1, $0x6;
	[sflag:s20] =	ssyncadd.s32 $0xFFFFE000  }
0x6d: {  	s23 =	sshrl.u32 s9, $0x3;
	s1 =	sor.u32 $0x1C03, s1;
	[bflag:$0x0] =	sbarrier.arrive $0xFFFF  }
0x6e: {  	[hbm:s14], [sflag:s1] =	dma.local [spmem:s23], $0x400  }
0x6f: {  	_ =	swait.ge [sflag:s20], $0x400  }
0x70: {  	[sflag:s20] =	ssyncset.done $0x0  }
0x71: {  	s23 =	sshrl.u32 s10, $0x3;
	[sflag:s20] =	ssyncadd.s32 $0xFFFFFC00  }
0x72: {  	[hbm:s15], [sflag:s1] =	dma.local [spmem:s23], $0x400  }
0x73: {  	_ =	swait.ge [sflag:s20], $0x400  }
0x74: {  	[sflag:s20] =	ssyncset.done $0x0  }
0x75: {  	s23 =	sshrl.u32 s11, $0x3;
	[sflag:s20] =	ssyncadd.s32 $0xFFFFFC00  }
0x76: {  	[hbm:s16], [sflag:s1] =	dma.local [spmem:s23], $0x400  }
0x77: {  	_ =	swait.ge [sflag:s20], $0x400  }
0x78: {  	[sflag:s20] =	ssyncset.done $0x0  }
0x79: {  	s23 =	sshrl.u32 s12, $0x3;
	[sflag:s20] =	ssyncadd.s32 $0xFFFFFC00  }
0x7a: {  	[hbm:s17], [sflag:s1] =	dma.local [spmem:s23], $0x400  }
0x7b: {  	s0 =	sadd.s32 $0x1, s0;
	_ =	swait.ge [sflag:s20], $0x400  }
0x7c: {  	p0 =	sne.s32 s0, s19;
	[sflag:s20] =	ssyncset.done $0x0  }
.Ltmp1:
0x7d: {  	s23 =	sshrl.u32 s13, $0x3;
	[sflag:s20] =	ssyncadd.s32 $0xFFFFFC00;
	(pc) =	sbr.rel @p0 .LBB2_1-.Ltmp1, $4  }
0x7e: {  	[hbm:s18], [sflag:s1] =	dma.local [spmem:s23], $0x400  }
0x7f: {  	_ =	swait.ge [sflag:s20], $0x400  }
0x80: {  	[sflag:s20] =	ssyncset.done $0x0  }
0x81: {  	[sflag:s20] =	ssyncadd.s32 $0xFFFFFC00  }
0x82: {  	_ =	sfence.sel $0x180000  }
0x83: {  	[bflag:$0x0] =	sbarrier.arrive $0xFFFF  }
0x84: {  	_ =	strace $0x9000004A  }
0x85: {  	s0 =	stileid.u32;
	[bflag:$0x2] =	sbarrier.arrive $0xFFFF  }
0x86: {  	p0 =	sne.s32 s0, $0x0;
	s0 =	rddreg [dreg:$0x3]  }
0x87: {  	s0 =	sadd.s32 @!p0 $0x100000, s0  }
0x88: {  	[sflag:s0] =	ssyncadd.tile.s32 @!p0 $0x1;
	_ =	shalt  }
.Lfunc_end2:
_tile_overlayer_lowered:
.L_overlay_start_2:
0x89: {  	(tag) =	ssettag $0x2  }
0x8a: {  	s0 =	rddreg [dreg:$0x0];
	s2 =	stileid.u32  }
0x8b: {  	s1 =	rddreg [dreg:$0x1];
	p0 =	sne.s32 s2, $0x0  }
0x8c: {  	s3 =	rddreg [dreg:$0x2];
	[bflag:$0x3] =	sbarrier.arrive $0xFFFF;
	s2 =	simm.s32 @!p0 $0x1C03  }
0x8d: {  	[timem:s3], [sflag:s2] =	dma.local @!p0 [hbm:s0], s1  }
0x8e: {  	s0 =	simm.s32 @!p0 $0x3  }
0x8f: {  	_ =	swait.ge @!p0 [sflag:s0], s1  }
0x90: {  	s1 =	ssub.s32 @!p0 $0x0, s1;
	[sflag:s0] =	ssyncset.done @!p0 $0x0  }
0x91: {  	[sflag:s0] =	ssyncadd.s32 @!p0 s1  }
0x92: {  	[bflag:$0x3] =	sbarrier.arrive $0xFFFF  }
0x93: {  	_ =	shalt  }

</sc_bundles>
